<compile_context>
chip_gen: v7x
topology: tpu7x:2x2x1
jax: 0.10.2.dev20260603
libtpu: 0.0.44.dev20260713+nightly
codegen_flags: <defaults>
</compile_context>

<pallas_src>
import functools

import jax
import jax.numpy as jnp
from jax import lax
from jax.experimental import pallas as pl
from jax.experimental.pallas import tpu as pltpu
from jax.experimental.pallas import tpu_sc as plsc

DIM_VOCAB = 100000
DIM_HIDDEN = 64
PAD_DIM = 128
BATCH = 4096
HIST_LEN = 50

NUM_WORKERS = 32
B_PER_W = BATCH // NUM_WORKERS
NBUF = 4
N_ROUNDS = B_PER_W // NBUF

_mesh = plsc.VectorSubcoreMesh(core_axis_name="c", subcore_axis_name="s")


@functools.partial(
    pl.kernel,
    out_type=jax.ShapeDtypeStruct((BATCH, HIST_LEN, DIM_HIDDEN), jnp.float32),
    mesh=_mesh,
    scratch_types=[
        pltpu.VMEM((B_PER_W, HIST_LEN), jnp.int32),
        [pltpu.VMEM((HIST_LEN, PAD_DIM), jnp.float32) for _ in range(NBUF)],
        [pltpu.VMEM((HIST_LEN, DIM_HIDDEN), jnp.float32) for _ in range(NBUF)],
        [pltpu.SemaphoreType.DMA for _ in range(NBUF)],
        [pltpu.SemaphoreType.DMA for _ in range(NBUF)],
    ],
    compiler_params=pltpu.CompilerParams(use_tc_tiling_on_sc=True),
)
def _embed_lookup(idx_hbm, table_hbm, out_hbm, idx_v, rows, pk, gsem, osem):
    wid = lax.axis_index("s") * 2 + lax.axis_index("c")
    base = wid * B_PER_W
    pltpu.sync_copy(idx_hbm.at[pl.ds(base, B_PER_W)], idx_v)

    def gather(c, b):
        return pltpu.make_async_copy(
            table_hbm.at[idx_v.at[c]], rows[b], gsem[b])

    def put(c, b):
        return pltpu.make_async_copy(pk[b], out_hbm.at[base + c], osem[b])

    def repack(b):
        def row(i, carry):
            t = i * 2
            vs = [rows[b][t + u, pl.ds(k * 16, 16)]
                  for u in range(2) for k in range(DIM_HIDDEN // 16)]
            for u in range(2):
                for k in range(DIM_HIDDEN // 16):
                    pk[b][t + u, pl.ds(k * 16, 16)] = vs[u * 4 + k]
            return carry
        lax.fori_loop(0, HIST_LEN // 2, row, 0)

    def body(g, carry):
        for b in range(NBUF):
            c = g * NBUF + b
            @pl.when(g > 0)
            def _():
                put(c - NBUF, b).wait()
            gather(c, b).start()
        for b in range(NBUF):
            c = g * NBUF + b
            gather(c, b).wait()
            repack(b)
            put(c, b).start()
        return carry

    lax.fori_loop(0, N_ROUNDS, body, 0)
    for b in range(NBUF):
        put(B_PER_W - NBUF + b, b).wait()


def kernel(x, emb_t):
    table = jnp.pad(emb_t, ((0, 0), (0, PAD_DIM - DIM_HIDDEN)))
    return _embed_lookup(x.astype(jnp.int32), table)

# --- scband reference (transcript-rebuilt; emitter-appended) ---
"""Pipeline reference for scband-embed-42322607735122 (READ-ONLY COPY).

The authoritative reference and input builder live on the scoring server;
editing this copy changes nothing except your own understanding.
"""

import jax, jax.numpy as jnp
import numpy as np

DIM_VOCAB = 100000
DIM_HIDDEN = 64
BATCH = 4096
HIST_LEN = 50

def setup_inputs(seed: int = 0) -> dict:
    key = jax.random.key(seed)
    k1, k2 = jax.random.split(key)
    x = jax.random.randint(k1, (BATCH, HIST_LEN), 0, DIM_VOCAB)
    emb_t = jax.random.normal(k2, (DIM_VOCAB, DIM_HIDDEN), dtype=jnp.float32)
    return {"x": x, "emb_t": emb_t}

def reference(x, emb_t):
    # tf.ragged.map_flat_values(tf.nn.embedding_lookup, emb_t, x) on a dense
    # int tensor reduces to a plain embedding lookup (row gather).
    return jnp.take(emb_t, x, axis=0)

if __name__ == "__main__":
    import jax
    _d = setup_inputs()
    print(jax.jit(kernel)(*tuple(_d.values())))

</pallas_src>

<mosaic_0001>
#map = affine_map<(d0, d1) -> (0, 0)>
#map1 = affine_map<(d0, d1) -> (0, 0, 0)>
module attributes {stable_mosaic.version = 14 : i64} {
  func.func @_embed_lookup(%arg0: i32, %arg1: i32, %arg2: memref<4096x50xi32, #tpu.memory_space<hbm>>, %arg3: memref<100000x128xf32, #tpu.memory_space<hbm>>, %arg4: memref<4096x50x64xf32, #tpu.memory_space<hbm>>, %arg5: memref<128x50xi32, #tpu.memory_space<vmem>>, %arg6: memref<50x128xf32, #tpu.memory_space<vmem>>, %arg7: memref<50x128xf32, #tpu.memory_space<vmem>>, %arg8: memref<50x128xf32, #tpu.memory_space<vmem>>, %arg9: memref<50x128xf32, #tpu.memory_space<vmem>>, %arg10: memref<50x64xf32, #tpu.memory_space<vmem>>, %arg11: memref<50x64xf32, #tpu.memory_space<vmem>>, %arg12: memref<50x64xf32, #tpu.memory_space<vmem>>, %arg13: memref<50x64xf32, #tpu.memory_space<vmem>>, %arg14: memref<!tpu.dma_semaphore, #tpu.memory_space<semaphore_mem>>, %arg15: memref<!tpu.dma_semaphore, #tpu.memory_space<semaphore_mem>>, %arg16: memref<!tpu.dma_semaphore, #tpu.memory_space<semaphore_mem>>, %arg17: memref<!tpu.dma_semaphore, #tpu.memory_space<semaphore_mem>>, %arg18: memref<!tpu.dma_semaphore, #tpu.memory_space<semaphore_mem>>, %arg19: memref<!tpu.dma_semaphore, #tpu.memory_space<semaphore_mem>>, %arg20: memref<!tpu.dma_semaphore, #tpu.memory_space<semaphore_mem>>, %arg21: memref<!tpu.dma_semaphore, #tpu.memory_space<semaphore_mem>>) attributes {dimension_semantics = [#tpu.dimension_semantics<core_parallel>, #tpu.dimension_semantics<subcore_parallel>], iteration_bounds = array<i64: 2, 16>, scalar_prefetch = 0 : i64, scratch_operands = 17 : i64, tpu.core_type = #tpu.core_type<sc_vector_subcore>, window_params = [{transform_indices = #map}, {transform_indices = #map}, {transform_indices = #map1}]} {
    %mul3A = arith.constant 2 : i32
    %mul3A_0 = arith.muli %arg1, %mul3A : i32
    %add3A = arith.addi %mul3A_0, %arg0 : i32
    %mul3A_1 = arith.constant 128 : i32
    %mul3A_2 = arith.muli %add3A, %mul3A_1 : i32
    "tpu.region"() ({
      %run_scoped3A = tpu.sem_alloc : memref<!tpu.dma_semaphore, #tpu.memory_space<semaphore_mem>>
      %dma_start3A = arith.constant 0 : i32
      %dma_start3A_47 = tpu.memref_slice %arg2[%mul3A_2, %dma_start3A] : memref<4096x50xi32, #tpu.memory_space<hbm>> -> memref<128x50xi32, #tpu.memory_space<hbm>>
      %dma_start3A_48 = arith.constant 0 : i32
      %dma_start3A_49 = tpu.memref_slice %arg2[%mul3A_2, %dma_start3A_48] : memref<4096x50xi32, #tpu.memory_space<hbm>> -> memref<128x50xi32, #tpu.memory_space<hbm>>
      tpu.enqueue_dma source(%dma_start3A_49 : memref<128x50xi32, #tpu.memory_space<hbm>>) target(%arg5 : memref<128x50xi32, #tpu.memory_space<vmem>>) target_semaphore(%run_scoped3A : memref<!tpu.dma_semaphore, #tpu.memory_space<semaphore_mem>>)
      %dma_wait3A_50 = arith.constant 0 : i32
      %dma_wait3A_51 = tpu.memref_slice %arg2[%mul3A_2, %dma_wait3A_50] : memref<4096x50xi32, #tpu.memory_space<hbm>> -> memref<128x50xi32, #tpu.memory_space<hbm>>
      %dma_wait3A_52 = arith.constant 0 : i32
      %dma_wait3A_53 = tpu.memref_slice %arg2[%mul3A_2, %dma_wait3A_52] : memref<4096x50xi32, #tpu.memory_space<hbm>> -> memref<128x50xi32, #tpu.memory_space<hbm>>
      tpu.wait_dma2 semaphore(%run_scoped3A : memref<!tpu.dma_semaphore, #tpu.memory_space<semaphore_mem>>) src(%dma_wait3A_53 : memref<128x50xi32, #tpu.memory_space<hbm>>) dst(%arg5 : memref<128x50xi32, #tpu.memory_space<vmem>>)
      tpu.yield
    }) : () -> ()
    %scan3A = arith.constant 0 : i32
    %scan3A_3 = arith.constant 0 : i32
    %scan3A_4 = arith.constant 32 : i32
    %scan3A_5 = arith.addi %scan3A_3, %scan3A_4 : i32
    %scan3A_6 = arith.constant 1 : i32
    scf.for %scan3A_47 = %scan3A_3 to %scan3A_5 step %scan3A_6  : i32 {
      %mul3A_48 = arith.constant 4 : i32
      %mul3A_49 = arith.muli %scan3A_47, %mul3A_48 : i32
      %add3A_50 = arith.constant 0 : i32
      %add3A_51 = arith.addi %mul3A_49, %add3A_50 : i32
      %gt3A = arith.constant 0 : i32
      %gt3A_52 = arith.cmpi sgt, %scan3A_47, %gt3A : i32
      %convert_element_type3A = arith.extui %gt3A_52 : i1 to i32
      %cond3A = arith.constant 0 : i32
      %cond3A_53 = arith.cmpi ne, %convert_element_type3A, %cond3A : i32
      scf.if %cond3A_53 {
        %sub3A = arith.constant 4 : i32
        %sub3A_204 = arith.subi %add3A_51, %sub3A : i32
        %add3A_205 = arith.addi %mul3A_2, %sub3A_204 : i32
        %dma_wait3A_206 = arith.constant 0 : i32
        %dma_wait3A_207 = arith.constant 0 : i32
        %dma_wait3A_208 = tpu.memref_slice %arg4[%add3A_205, %dma_wait3A_206, %dma_wait3A_207] : memref<4096x50x64xf32, #tpu.memory_space<hbm>> -> memref<1x50x64xf32, #tpu.memory_space<hbm>>
        %dma_wait3A_209 = tpu.memref_squeeze %dma_wait3A_208 : memref<1x50x64xf32, #tpu.memory_space<hbm>> -> memref<50x64xf32, #tpu.memory_space<hbm>>
        %dma_wait3A_210 = arith.constant 0 : i32
        %dma_wait3A_211 = arith.constant 0 : i32
        %dma_wait3A_212 = tpu.memref_slice %arg4[%add3A_205, %dma_wait3A_210, %dma_wait3A_211] : memref<4096x50x64xf32, #tpu.memory_space<hbm>> -> memref<1x50x64xf32, #tpu.memory_space<hbm>>
        %dma_wait3A_213 = tpu.memref_squeeze %dma_wait3A_212 : memref<1x50x64xf32, #tpu.memory_space<hbm>> -> memref<50x64xf32, #tpu.memory_space<hbm>>
        tpu.wait_dma2 semaphore(%arg18 : memref<!tpu.dma_semaphore, #tpu.memory_space<semaphore_mem>>) src(%arg10 : memref<50x64xf32, #tpu.memory_space<vmem>>) dst(%dma_wait3A_213 : memref<50x64xf32, #tpu.memory_space<hbm>>)
      } else {
      }
      %dma_start3A = arith.constant 0 : i32
      %dma_start3A_54 = tpu.memref_slice %arg5[%add3A_51, %dma_start3A] : memref<128x50xi32, #tpu.memory_space<vmem>> -> memref<1x50xi32, #tpu.memory_space<vmem>>
      %dma_start3A_55 = tpu.memref_squeeze %dma_start3A_54 : memref<1x50xi32, #tpu.memory_space<vmem>> -> memref<50xi32, #tpu.memory_space<vmem>>
      %dma_start3A_56 = arith.constant 0 : i32
      %dma_start3A_57 = arith.constant 0 : i32
      %dma_start3A_58 = tpu.memref_slice %arg3[%dma_start3A_56, %dma_start3A_57] : memref<100000x128xf32, #tpu.memory_space<hbm>> -> memref<100000x128xf32, #tpu.memory_space<hbm>>
      tpu.enqueue_indirect_dma source(%dma_start3A_58 : memref<100000x128xf32, #tpu.memory_space<hbm>>) target(%arg6 : memref<50x128xf32, #tpu.memory_space<vmem>>) offsets(%dma_start3A_55 : memref<50xi32, #tpu.memory_space<vmem>>) semaphore(%arg14 : memref<!tpu.dma_semaphore, #tpu.memory_space<semaphore_mem>>)
      %mul3A_59 = arith.constant 4 : i32
      %mul3A_60 = arith.muli %scan3A_47, %mul3A_59 : i32
      %add3A_61 = arith.constant 1 : i32
      %add3A_62 = arith.addi %mul3A_60, %add3A_61 : i32
      %gt3A_63 = arith.constant 0 : i32
      %gt3A_64 = arith.cmpi sgt, %scan3A_47, %gt3A_63 : i32
      %convert_element_type3A_65 = arith.extui %gt3A_64 : i1 to i32
      %cond3A_66 = arith.constant 0 : i32
      %cond3A_67 = arith.cmpi ne, %convert_element_type3A_65, %cond3A_66 : i32
      scf.if %cond3A_67 {
        %sub3A = arith.constant 4 : i32
        %sub3A_204 = arith.subi %add3A_62, %sub3A : i32
        %add3A_205 = arith.addi %mul3A_2, %sub3A_204 : i32
        %dma_wait3A_206 = arith.constant 0 : i32
        %dma_wait3A_207 = arith.constant 0 : i32
        %dma_wait3A_208 = tpu.memref_slice %arg4[%add3A_205, %dma_wait3A_206, %dma_wait3A_207] : memref<4096x50x64xf32, #tpu.memory_space<hbm>> -> memref<1x50x64xf32, #tpu.memory_space<hbm>>
        %dma_wait3A_209 = tpu.memref_squeeze %dma_wait3A_208 : memref<1x50x64xf32, #tpu.memory_space<hbm>> -> memref<50x64xf32, #tpu.memory_space<hbm>>
        %dma_wait3A_210 = arith.constant 0 : i32
        %dma_wait3A_211 = arith.constant 0 : i32
        %dma_wait3A_212 = tpu.memref_slice %arg4[%add3A_205, %dma_wait3A_210, %dma_wait3A_211] : memref<4096x50x64xf32, #tpu.memory_space<hbm>> -> memref<1x50x64xf32, #tpu.memory_space<hbm>>
        %dma_wait3A_213 = tpu.memref_squeeze %dma_wait3A_212 : memref<1x50x64xf32, #tpu.memory_space<hbm>> -> memref<50x64xf32, #tpu.memory_space<hbm>>
        tpu.wait_dma2 semaphore(%arg19 : memref<!tpu.dma_semaphore, #tpu.memory_space<semaphore_mem>>) src(%arg11 : memref<50x64xf32, #tpu.memory_space<vmem>>) dst(%dma_wait3A_213 : memref<50x64xf32, #tpu.memory_space<hbm>>)
      } else {
      }
      %dma_start3A_68 = arith.constant 0 : i32
      %dma_start3A_69 = tpu.memref_slice %arg5[%add3A_62, %dma_start3A_68] : memref<128x50xi32, #tpu.memory_space<vmem>> -> memref<1x50xi32, #tpu.memory_space<vmem>>
      %dma_start3A_70 = tpu.memref_squeeze %dma_start3A_69 : memref<1x50xi32, #tpu.memory_space<vmem>> -> memref<50xi32, #tpu.memory_space<vmem>>
      %dma_start3A_71 = arith.constant 0 : i32
      %dma_start3A_72 = arith.constant 0 : i32
      %dma_start3A_73 = tpu.memref_slice %arg3[%dma_start3A_71, %dma_start3A_72] : memref<100000x128xf32, #tpu.memory_space<hbm>> -> memref<100000x128xf32, #tpu.memory_space<hbm>>
      tpu.enqueue_indirect_dma source(%dma_start3A_73 : memref<100000x128xf32, #tpu.memory_space<hbm>>) target(%arg7 : memref<50x128xf32, #tpu.memory_space<vmem>>) offsets(%dma_start3A_70 : memref<50xi32, #tpu.memory_space<vmem>>) semaphore(%arg15 : memref<!tpu.dma_semaphore, #tpu.memory_space<semaphore_mem>>)
      %mul3A_74 = arith.constant 4 : i32
      %mul3A_75 = arith.muli %scan3A_47, %mul3A_74 : i32
      %add3A_76 = arith.constant 2 : i32
      %add3A_77 = arith.addi %mul3A_75, %add3A_76 : i32
      %gt3A_78 = arith.constant 0 : i32
      %gt3A_79 = arith.cmpi sgt, %scan3A_47, %gt3A_78 : i32
      %convert_element_type3A_80 = arith.extui %gt3A_79 : i1 to i32
      %cond3A_81 = arith.constant 0 : i32
      %cond3A_82 = arith.cmpi ne, %convert_element_type3A_80, %cond3A_81 : i32
      scf.if %cond3A_82 {
        %sub3A = arith.constant 4 : i32
        %sub3A_204 = arith.subi %add3A_77, %sub3A : i32
        %add3A_205 = arith.addi %mul3A_2, %sub3A_204 : i32
        %dma_wait3A_206 = arith.constant 0 : i32
        %dma_wait3A_207 = arith.constant 0 : i32
        %dma_wait3A_208 = tpu.memref_slice %arg4[%add3A_205, %dma_wait3A_206, %dma_wait3A_207] : memref<4096x50x64xf32, #tpu.memory_space<hbm>> -> memref<1x50x64xf32, #tpu.memory_space<hbm>>
        %dma_wait3A_209 = tpu.memref_squeeze %dma_wait3A_208 : memref<1x50x64xf32, #tpu.memory_space<hbm>> -> memref<50x64xf32, #tpu.memory_space<hbm>>
        %dma_wait3A_210 = arith.constant 0 : i32
        %dma_wait3A_211 = arith.constant 0 : i32
        %dma_wait3A_212 = tpu.memref_slice %arg4[%add3A_205, %dma_wait3A_210, %dma_wait3A_211] : memref<4096x50x64xf32, #tpu.memory_space<hbm>> -> memref<1x50x64xf32, #tpu.memory_space<hbm>>
        %dma_wait3A_213 = tpu.memref_squeeze %dma_wait3A_212 : memref<1x50x64xf32, #tpu.memory_space<hbm>> -> memref<50x64xf32, #tpu.memory_space<hbm>>
        tpu.wait_dma2 semaphore(%arg20 : memref<!tpu.dma_semaphore, #tpu.memory_space<semaphore_mem>>) src(%arg12 : memref<50x64xf32, #tpu.memory_space<vmem>>) dst(%dma_wait3A_213 : memref<50x64xf32, #tpu.memory_space<hbm>>)
      } else {
      }
      %dma_start3A_83 = arith.constant 0 : i32
      %dma_start3A_84 = tpu.memref_slice %arg5[%add3A_77, %dma_start3A_83] : memref<128x50xi32, #tpu.memory_space<vmem>> -> memref<1x50xi32, #tpu.memory_space<vmem>>
      %dma_start3A_85 = tpu.memref_squeeze %dma_start3A_84 : memref<1x50xi32, #tpu.memory_space<vmem>> -> memref<50xi32, #tpu.memory_space<vmem>>
      %dma_start3A_86 = arith.constant 0 : i32
      %dma_start3A_87 = arith.constant 0 : i32
      %dma_start3A_88 = tpu.memref_slice %arg3[%dma_start3A_86, %dma_start3A_87] : memref<100000x128xf32, #tpu.memory_space<hbm>> -> memref<100000x128xf32, #tpu.memory_space<hbm>>
      tpu.enqueue_indirect_dma source(%dma_start3A_88 : memref<100000x128xf32, #tpu.memory_space<hbm>>) target(%arg8 : memref<50x128xf32, #tpu.memory_space<vmem>>) offsets(%dma_start3A_85 : memref<50xi32, #tpu.memory_space<vmem>>) semaphore(%arg16 : memref<!tpu.dma_semaphore, #tpu.memory_space<semaphore_mem>>)
      %mul3A_89 = arith.constant 4 : i32
      %mul3A_90 = arith.muli %scan3A_47, %mul3A_89 : i32
      %add3A_91 = arith.constant 3 : i32
      %add3A_92 = arith.addi %mul3A_90, %add3A_91 : i32
      %gt3A_93 = arith.constant 0 : i32
      %gt3A_94 = arith.cmpi sgt, %scan3A_47, %gt3A_93 : i32
      %convert_element_type3A_95 = arith.extui %gt3A_94 : i1 to i32
      %cond3A_96 = arith.constant 0 : i32
      %cond3A_97 = arith.cmpi ne, %convert_element_type3A_95, %cond3A_96 : i32
      scf.if %cond3A_97 {
        %sub3A = arith.constant 4 : i32
        %sub3A_204 = arith.subi %add3A_92, %sub3A : i32
        %add3A_205 = arith.addi %mul3A_2, %sub3A_204 : i32
        %dma_wait3A_206 = arith.constant 0 : i32
        %dma_wait3A_207 = arith.constant 0 : i32
        %dma_wait3A_208 = tpu.memref_slice %arg4[%add3A_205, %dma_wait3A_206, %dma_wait3A_207] : memref<4096x50x64xf32, #tpu.memory_space<hbm>> -> memref<1x50x64xf32, #tpu.memory_space<hbm>>
        %dma_wait3A_209 = tpu.memref_squeeze %dma_wait3A_208 : memref<1x50x64xf32, #tpu.memory_space<hbm>> -> memref<50x64xf32, #tpu.memory_space<hbm>>
        %dma_wait3A_210 = arith.constant 0 : i32
        %dma_wait3A_211 = arith.constant 0 : i32
        %dma_wait3A_212 = tpu.memref_slice %arg4[%add3A_205, %dma_wait3A_210, %dma_wait3A_211] : memref<4096x50x64xf32, #tpu.memory_space<hbm>> -> memref<1x50x64xf32, #tpu.memory_space<hbm>>
        %dma_wait3A_213 = tpu.memref_squeeze %dma_wait3A_212 : memref<1x50x64xf32, #tpu.memory_space<hbm>> -> memref<50x64xf32, #tpu.memory_space<hbm>>
        tpu.wait_dma2 semaphore(%arg21 : memref<!tpu.dma_semaphore, #tpu.memory_space<semaphore_mem>>) src(%arg13 : memref<50x64xf32, #tpu.memory_space<vmem>>) dst(%dma_wait3A_213 : memref<50x64xf32, #tpu.memory_space<hbm>>)
      } else {
      }
      %dma_start3A_98 = arith.constant 0 : i32
      %dma_start3A_99 = tpu.memref_slice %arg5[%add3A_92, %dma_start3A_98] : memref<128x50xi32, #tpu.memory_space<vmem>> -> memref<1x50xi32, #tpu.memory_space<vmem>>
      %dma_start3A_100 = tpu.memref_squeeze %dma_start3A_99 : memref<1x50xi32, #tpu.memory_space<vmem>> -> memref<50xi32, #tpu.memory_space<vmem>>
      %dma_start3A_101 = arith.constant 0 : i32
      %dma_start3A_102 = arith.constant 0 : i32
      %dma_start3A_103 = tpu.memref_slice %arg3[%dma_start3A_101, %dma_start3A_102] : memref<100000x128xf32, #tpu.memory_space<hbm>> -> memref<100000x128xf32, #tpu.memory_space<hbm>>
      tpu.enqueue_indirect_dma source(%dma_start3A_103 : memref<100000x128xf32, #tpu.memory_space<hbm>>) target(%arg9 : memref<50x128xf32, #tpu.memory_space<vmem>>) offsets(%dma_start3A_100 : memref<50xi32, #tpu.memory_space<vmem>>) semaphore(%arg17 : memref<!tpu.dma_semaphore, #tpu.memory_space<semaphore_mem>>)
      %mul3A_104 = arith.constant 4 : i32
      %mul3A_105 = arith.muli %scan3A_47, %mul3A_104 : i32
      %add3A_106 = arith.constant 0 : i32
      %add3A_107 = arith.addi %mul3A_105, %add3A_106 : i32
      %dma_wait3A_108 = arith.constant 0 : i32
      %dma_wait3A_109 = tpu.memref_slice %arg5[%add3A_107, %dma_wait3A_108] : memref<128x50xi32, #tpu.memory_space<vmem>> -> memref<1x50xi32, #tpu.memory_space<vmem>>
      %dma_wait3A_110 = tpu.memref_squeeze %dma_wait3A_109 : memref<1x50xi32, #tpu.memory_space<vmem>> -> memref<50xi32, #tpu.memory_space<vmem>>
      %dma_wait3A_111 = arith.constant 0 : i32
      %dma_wait3A_112 = arith.constant 0 : i32
      %dma_wait3A_113 = tpu.memref_slice %arg3[%dma_wait3A_111, %dma_wait3A_112] : memref<100000x128xf32, #tpu.memory_space<hbm>> -> memref<100000x128xf32, #tpu.memory_space<hbm>>
      tpu.wait_indirect_dma semaphore(%arg14 : memref<!tpu.dma_semaphore, #tpu.memory_space<semaphore_mem>>) src(%dma_wait3A_113 : memref<100000x128xf32, #tpu.memory_space<hbm>>) dst(%arg6 : memref<50x128xf32, #tpu.memory_space<vmem>>)
      %scan3A_114 = arith.constant 0 : i32
      %scan3A_115 = arith.constant 0 : i32
      %scan3A_116 = arith.constant 25 : i32
      %scan3A_117 = arith.addi %scan3A_115, %scan3A_116 : i32
      %scan3A_118 = arith.constant 1 : i32
      scf.for %scan3A_204 = %scan3A_115 to %scan3A_117 step %scan3A_118  : i32 {
        %mul3A_205 = arith.constant 2 : i32
        %mul3A_206 = arith.muli %scan3A_204, %mul3A_205 : i32
        %add3A_207 = arith.constant 0 : i32
        %add3A_208 = arith.addi %mul3A_206, %add3A_207 : i32
        %get3A = arith.index_cast %add3A_208 : i32 to index
        %get3A_209 = arith.constant 0 : index
        %get3A_210 = tpu.vector_load %arg6[%get3A, %get3A_209] {strides = array<i32>} : memref<50x128xf32, #tpu.memory_space<vmem>>, vector<1x16xf32>,
        %get3A_211 = vector.shape_cast %get3A_210 : vector<1x16xf32> to vector<16xf32>
        %add3A_212 = arith.constant 0 : i32
        %add3A_213 = arith.addi %mul3A_206, %add3A_212 : i32
        %get3A_214 = arith.index_cast %add3A_213 : i32 to index
        %get3A_215 = arith.constant 16 : index
        %get3A_216 = tpu.vector_load %arg6[%get3A_214, %get3A_215] {strides = array<i32>} : memref<50x128xf32, #tpu.memory_space<vmem>>, vector<1x16xf32>,
        %get3A_217 = vector.shape_cast %get3A_216 : vector<1x16xf32> to vector<16xf32>
        %add3A_218 = arith.constant 0 : i32
        %add3A_219 = arith.addi %mul3A_206, %add3A_218 : i32
        %get3A_220 = arith.index_cast %add3A_219 : i32 to index
        %get3A_221 = arith.constant 32 : index
        %get3A_222 = tpu.vector_load %arg6[%get3A_220, %get3A_221] {strides = array<i32>} : memref<50x128xf32, #tpu.memory_space<vmem>>, vector<1x16xf32>,
        %get3A_223 = vector.shape_cast %get3A_222 : vector<1x16xf32> to vector<16xf32>
        %add3A_224 = arith.constant 0 : i32
        %add3A_225 = arith.addi %mul3A_206, %add3A_224 : i32
        %get3A_226 = arith.index_cast %add3A_225 : i32 to index
        %get3A_227 = arith.constant 48 : index
        %get3A_228 = tpu.vector_load %arg6[%get3A_226, %get3A_227] {strides = array<i32>} : memref<50x128xf32, #tpu.memory_space<vmem>>, vector<1x16xf32>,
        %get3A_229 = vector.shape_cast %get3A_228 : vector<1x16xf32> to vector<16xf32>
        %add3A_230 = arith.constant 1 : i32
        %add3A_231 = arith.addi %mul3A_206, %add3A_230 : i32
        %get3A_232 = arith.index_cast %add3A_231 : i32 to index
        %get3A_233 = arith.constant 0 : index
        %get3A_234 = tpu.vector_load %arg6[%get3A_232, %get3A_233] {strides = array<i32>} : memref<50x128xf32, #tpu.memory_space<vmem>>, vector<1x16xf32>,
        %get3A_235 = vector.shape_cast %get3A_234 : vector<1x16xf32> to vector<16xf32>
        %add3A_236 = arith.constant 1 : i32
        %add3A_237 = arith.addi %mul3A_206, %add3A_236 : i32
        %get3A_238 = arith.index_cast %add3A_237 : i32 to index
        %get3A_239 = arith.constant 16 : index
        %get3A_240 = tpu.vector_load %arg6[%get3A_238, %get3A_239] {strides = array<i32>} : memref<50x128xf32, #tpu.memory_space<vmem>>, vector<1x16xf32>,
        %get3A_241 = vector.shape_cast %get3A_240 : vector<1x16xf32> to vector<16xf32>
        %add3A_242 = arith.constant 1 : i32
        %add3A_243 = arith.addi %mul3A_206, %add3A_242 : i32
        %get3A_244 = arith.index_cast %add3A_243 : i32 to index
        %get3A_245 = arith.constant 32 : index
        %get3A_246 = tpu.vector_load %arg6[%get3A_244, %get3A_245] {strides = array<i32>} : memref<50x128xf32, #tpu.memory_space<vmem>>, vector<1x16xf32>,
        %get3A_247 = vector.shape_cast %get3A_246 : vector<1x16xf32> to vector<16xf32>
        %add3A_248 = arith.constant 1 : i32
        %add3A_249 = arith.addi %mul3A_206, %add3A_248 : i32
        %get3A_250 = arith.index_cast %add3A_249 : i32 to index
        %get3A_251 = arith.constant 48 : index
        %get3A_252 = tpu.vector_load %arg6[%get3A_250, %get3A_251] {strides = array<i32>} : memref<50x128xf32, #tpu.memory_space<vmem>>, vector<1x16xf32>,
        %get3A_253 = vector.shape_cast %get3A_252 : vector<1x16xf32> to vector<16xf32>
        %add3A_254 = arith.constant 0 : i32
        %add3A_255 = arith.addi %mul3A_206, %add3A_254 : i32
        %swap3A = arith.index_cast %add3A_255 : i32 to index
        %swap3A_256 = arith.constant 0 : index
        %swap3A_257 = tpu.vector_load %arg10[%swap3A, %swap3A_256] {strides = array<i32>} : memref<50x64xf32, #tpu.memory_space<vmem>>, vector<1x16xf32>,
        %swap3A_258 = vector.shape_cast %swap3A_257 : vector<1x16xf32> to vector<16xf32>
        %swap3A_259 = vector.shape_cast %get3A_211 : vector<16xf32> to vector<1x16xf32>
        tpu.vector_store %arg10[%swap3A, %swap3A_256], %swap3A_259 {strides = array<i32>} : memref<50x64xf32, #tpu.memory_space<vmem>>, vector<1x16xf32>,
        %add3A_260 = arith.constant 0 : i32
        %add3A_261 = arith.addi %mul3A_206, %add3A_260 : i32
        %swap3A_262 = arith.index_cast %add3A_261 : i32 to index
        %swap3A_263 = arith.constant 16 : index
        %swap3A_264 = tpu.vector_load %arg10[%swap3A_262, %swap3A_263] {strides = array<i32>} : memref<50x64xf32, #tpu.memory_space<vmem>>, vector<1x16xf32>,
        %swap3A_265 = vector.shape_cast %swap3A_264 : vector<1x16xf32> to vector<16xf32>
        %swap3A_266 = vector.shape_cast %get3A_217 : vector<16xf32> to vector<1x16xf32>
        tpu.vector_store %arg10[%swap3A_262, %swap3A_263], %swap3A_266 {strides = array<i32>} : memref<50x64xf32, #tpu.memory_space<vmem>>, vector<1x16xf32>,
        %add3A_267 = arith.constant 0 : i32
        %add3A_268 = arith.addi %mul3A_206, %add3A_267 : i32
        %swap3A_269 = arith.index_cast %add3A_268 : i32 to index
        %swap3A_270 = arith.constant 32 : index
        %swap3A_271 = tpu.vector_load %arg10[%swap3A_269, %swap3A_270] {strides = array<i32>} : memref<50x64xf32, #tpu.memory_space<vmem>>, vector<1x16xf32>,
        %swap3A_272 = vector.shape_cast %swap3A_271 : vector<1x16xf32> to vector<16xf32>
        %swap3A_273 = vector.shape_cast %get3A_223 : vector<16xf32> to vector<1x16xf32>
        tpu.vector_store %arg10[%swap3A_269, %swap3A_270], %swap3A_273 {strides = array<i32>} : memref<50x64xf32, #tpu.memory_space<vmem>>, vector<1x16xf32>,
        %add3A_274 = arith.constant 0 : i32
        %add3A_275 = arith.addi %mul3A_206, %add3A_274 : i32
        %swap3A_276 = arith.index_cast %add3A_275 : i32 to index
        %swap3A_277 = arith.constant 48 : index
        %swap3A_278 = tpu.vector_load %arg10[%swap3A_276, %swap3A_277] {strides = array<i32>} : memref<50x64xf32, #tpu.memory_space<vmem>>, vector<1x16xf32>,
        %swap3A_279 = vector.shape_cast %swap3A_278 : vector<1x16xf32> to vector<16xf32>
        %swap3A_280 = vector.shape_cast %get3A_229 : vector<16xf32> to vector<1x16xf32>
        tpu.vector_store %arg10[%swap3A_276, %swap3A_277], %swap3A_280 {strides = array<i32>} : memref<50x64xf32, #tpu.memory_space<vmem>>, vector<1x16xf32>,
        %add3A_281 = arith.constant 1 : i32
        %add3A_282 = arith.addi %mul3A_206, %add3A_281 : i32
        %swap3A_283 = arith.index_cast %add3A_282 : i32 to index
        %swap3A_284 = arith.constant 0 : index
        %swap3A_285 = tpu.vector_load %arg10[%swap3A_283, %swap3A_284] {strides = array<i32>} : memref<50x64xf32, #tpu.memory_space<vmem>>, vector<1x16xf32>,
        %swap3A_286 = vector.shape_cast %swap3A_285 : vector<1x16xf32> to vector<16xf32>
        %swap3A_287 = vector.shape_cast %get3A_235 : vector<16xf32> to vector<1x16xf32>
        tpu.vector_store %arg10[%swap3A_283, %swap3A_284], %swap3A_287 {strides = array<i32>} : memref<50x64xf32, #tpu.memory_space<vmem>>, vector<1x16xf32>,
        %add3A_288 = arith.constant 1 : i32
        %add3A_289 = arith.addi %mul3A_206, %add3A_288 : i32
        %swap3A_290 = arith.index_cast %add3A_289 : i32 to index
        %swap3A_291 = arith.constant 16 : index
        %swap3A_292 = tpu.vector_load %arg10[%swap3A_290, %swap3A_291] {strides = array<i32>} : memref<50x64xf32, #tpu.memory_space<vmem>>, vector<1x16xf32>,
        %swap3A_293 = vector.shape_cast %swap3A_292 : vector<1x16xf32> to vector<16xf32>
        %swap3A_294 = vector.shape_cast %get3A_241 : vector<16xf32> to vector<1x16xf32>
        tpu.vector_store %arg10[%swap3A_290, %swap3A_291], %swap3A_294 {strides = array<i32>} : memref<50x64xf32, #tpu.memory_space<vmem>>, vector<1x16xf32>,
        %add3A_295 = arith.constant 1 : i32
        %add3A_296 = arith.addi %mul3A_206, %add3A_295 : i32
        %swap3A_297 = arith.index_cast %add3A_296 : i32 to index
        %swap3A_298 = arith.constant 32 : index
        %swap3A_299 = tpu.vector_load %arg10[%swap3A_297, %swap3A_298] {strides = array<i32>} : memref<50x64xf32, #tpu.memory_space<vmem>>, vector<1x16xf32>,
        %swap3A_300 = vector.shape_cast %swap3A_299 : vector<1x16xf32> to vector<16xf32>
        %swap3A_301 = vector.shape_cast %get3A_247 : vector<16xf32> to vector<1x16xf32>
        tpu.vector_store %arg10[%swap3A_297, %swap3A_298], %swap3A_301 {strides = array<i32>} : memref<50x64xf32, #tpu.memory_space<vmem>>, vector<1x16xf32>,
        %add3A_302 = arith.constant 1 : i32
        %add3A_303 = arith.addi %mul3A_206, %add3A_302 : i32
        %swap3A_304 = arith.index_cast %add3A_303 : i32 to index
        %swap3A_305 = arith.constant 48 : index
        %swap3A_306 = tpu.vector_load %arg10[%swap3A_304, %swap3A_305] {strides = array<i32>} : memref<50x64xf32, #tpu.memory_space<vmem>>, vector<1x16xf32>,
        %swap3A_307 = vector.shape_cast %swap3A_306 : vector<1x16xf32> to vector<16xf32>
        %swap3A_308 = vector.shape_cast %get3A_253 : vector<16xf32> to vector<1x16xf32>
        tpu.vector_store %arg10[%swap3A_304, %swap3A_305], %swap3A_308 {strides = array<i32>} : memref<50x64xf32, #tpu.memory_space<vmem>>, vector<1x16xf32>,
      }
      %scan3A_119 = arith.constant 25 : i32
      %add3A_120 = arith.addi %mul3A_2, %add3A_107 : i32
      %dma_start3A_121 = arith.constant 0 : i32
      %dma_start3A_122 = arith.constant 0 : i32
      %dma_start3A_123 = tpu.memref_slice %arg4[%add3A_120, %dma_start3A_121, %dma_start3A_122] : memref<4096x50x64xf32, #tpu.memory_space<hbm>> -> memref<1x50x64xf32, #tpu.memory_space<hbm>>
      %dma_start3A_124 = tpu.memref_squeeze %dma_start3A_123 : memref<1x50x64xf32, #tpu.memory_space<hbm>> -> memref<50x64xf32, #tpu.memory_space<hbm>>
      %dma_start3A_125 = arith.constant 0 : i32
      %dma_start3A_126 = arith.constant 0 : i32
      %dma_start3A_127 = tpu.memref_slice %arg4[%add3A_120, %dma_start3A_125, %dma_start3A_126] : memref<4096x50x64xf32, #tpu.memory_space<hbm>> -> memref<1x50x64xf32, #tpu.memory_space<hbm>>
      %dma_start3A_128 = tpu.memref_squeeze %dma_start3A_127 : memref<1x50x64xf32, #tpu.memory_space<hbm>> -> memref<50x64xf32, #tpu.memory_space<hbm>>
      tpu.enqueue_dma source(%arg10 : memref<50x64xf32, #tpu.memory_space<vmem>>) target(%dma_start3A_128 : memref<50x64xf32, #tpu.memory_space<hbm>>) target_semaphore(%arg18 : memref<!tpu.dma_semaphore, #tpu.memory_space<semaphore_mem>>)
      %mul3A_129 = arith.constant 4 : i32
      %mul3A_130 = arith.muli %scan3A_47, %mul3A_129 : i32
      %add3A_131 = arith.constant 1 : i32
      %add3A_132 = arith.addi %mul3A_130, %add3A_131 : i32
      %dma_wait3A_133 = arith.constant 0 : i32
      %dma_wait3A_134 = tpu.memref_slice %arg5[%add3A_132, %dma_wait3A_133] : memref<128x50xi32, #tpu.memory_space<vmem>> -> memref<1x50xi32, #tpu.memory_space<vmem>>
      %dma_wait3A_135 = tpu.memref_squeeze %dma_wait3A_134 : memref<1x50xi32, #tpu.memory_space<vmem>> -> memref<50xi32, #tpu.memory_space<vmem>>
      %dma_wait3A_136 = arith.constant 0 : i32
      %dma_wait3A_137 = arith.constant 0 : i32
      %dma_wait3A_138 = tpu.memref_slice %arg3[%dma_wait3A_136, %dma_wait3A_137] : memref<100000x128xf32, #tpu.memory_space<hbm>> -> memref<100000x128xf32, #tpu.memory_space<hbm>>
      tpu.wait_indirect_dma semaphore(%arg15 : memref<!tpu.dma_semaphore, #tpu.memory_space<semaphore_mem>>) src(%dma_wait3A_138 : memref<100000x128xf32, #tpu.memory_space<hbm>>) dst(%arg7 : memref<50x128xf32, #tpu.memory_space<vmem>>)
      %scan3A_139 = arith.constant 0 : i32
      %scan3A_140 = arith.constant 0 : i32
      %scan3A_141 = arith.constant 25 : i32
      %scan3A_142 = arith.addi %scan3A_140, %scan3A_141 : i32
      %scan3A_143 = arith.constant 1 : i32
      scf.for %scan3A_204 = %scan3A_140 to %scan3A_142 step %scan3A_143  : i32 {
        %mul3A_205 = arith.constant 2 : i32
        %mul3A_206 = arith.muli %scan3A_204, %mul3A_205 : i32
        %add3A_207 = arith.constant 0 : i32
        %add3A_208 = arith.addi %mul3A_206, %add3A_207 : i32
        %get3A = arith.index_cast %add3A_208 : i32 to index
        %get3A_209 = arith.constant 0 : index
        %get3A_210 = tpu.vector_load %arg7[%get3A, %get3A_209] {strides = array<i32>} : memref<50x128xf32, #tpu.memory_space<vmem>>, vector<1x16xf32>,
        %get3A_211 = vector.shape_cast %get3A_210 : vector<1x16xf32> to vector<16xf32>
        %add3A_212 = arith.constant 0 : i32
        %add3A_213 = arith.addi %mul3A_206, %add3A_212 : i32
        %get3A_214 = arith.index_cast %add3A_213 : i32 to index
        %get3A_215 = arith.constant 16 : index
        %get3A_216 = tpu.vector_load %arg7[%get3A_214, %get3A_215] {strides = array<i32>} : memref<50x128xf32, #tpu.memory_space<vmem>>, vector<1x16xf32>,
        %get3A_217 = vector.shape_cast %get3A_216 : vector<1x16xf32> to vector<16xf32>
        %add3A_218 = arith.constant 0 : i32
        %add3A_219 = arith.addi %mul3A_206, %add3A_218 : i32
        %get3A_220 = arith.index_cast %add3A_219 : i32 to index
        %get3A_221 = arith.constant 32 : index
        %get3A_222 = tpu.vector_load %arg7[%get3A_220, %get3A_221] {strides = array<i32>} : memref<50x128xf32, #tpu.memory_space<vmem>>, vector<1x16xf32>,
        %get3A_223 = vector.shape_cast %get3A_222 : vector<1x16xf32> to vector<16xf32>
        %add3A_224 = arith.constant 0 : i32
        %add3A_225 = arith.addi %mul3A_206, %add3A_224 : i32
        %get3A_226 = arith.index_cast %add3A_225 : i32 to index
        %get3A_227 = arith.constant 48 : index
        %get3A_228 = tpu.vector_load %arg7[%get3A_226, %get3A_227] {strides = array<i32>} : memref<50x128xf32, #tpu.memory_space<vmem>>, vector<1x16xf32>,
        %get3A_229 = vector.shape_cast %get3A_228 : vector<1x16xf32> to vector<16xf32>
        %add3A_230 = arith.constant 1 : i32
        %add3A_231 = arith.addi %mul3A_206, %add3A_230 : i32
        %get3A_232 = arith.index_cast %add3A_231 : i32 to index
        %get3A_233 = arith.constant 0 : index
        %get3A_234 = tpu.vector_load %arg7[%get3A_232, %get3A_233] {strides = array<i32>} : memref<50x128xf32, #tpu.memory_space<vmem>>, vector<1x16xf32>,
        %get3A_235 = vector.shape_cast %get3A_234 : vector<1x16xf32> to vector<16xf32>
        %add3A_236 = arith.constant 1 : i32
        %add3A_237 = arith.addi %mul3A_206, %add3A_236 : i32
        %get3A_238 = arith.index_cast %add3A_237 : i32 to index
        %get3A_239 = arith.constant 16 : index
        %get3A_240 = tpu.vector_load %arg7[%get3A_238, %get3A_239] {strides = array<i32>} : memref<50x128xf32, #tpu.memory_space<vmem>>, vector<1x16xf32>,
        %get3A_241 = vector.shape_cast %get3A_240 : vector<1x16xf32> to vector<16xf32>
        %add3A_242 = arith.constant 1 : i32
        %add3A_243 = arith.addi %mul3A_206, %add3A_242 : i32
        %get3A_244 = arith.index_cast %add3A_243 : i32 to index
        %get3A_245 = arith.constant 32 : index
        %get3A_246 = tpu.vector_load %arg7[%get3A_244, %get3A_245] {strides = array<i32>} : memref<50x128xf32, #tpu.memory_space<vmem>>, vector<1x16xf32>,
        %get3A_247 = vector.shape_cast %get3A_246 : vector<1x16xf32> to vector<16xf32>
        %add3A_248 = arith.constant 1 : i32
        %add3A_249 = arith.addi %mul3A_206, %add3A_248 : i32
        %get3A_250 = arith.index_cast %add3A_249 : i32 to index
        %get3A_251 = arith.constant 48 : index
        %get3A_252 = tpu.vector_load %arg7[%get3A_250, %get3A_251] {strides = array<i32>} : memref<50x128xf32, #tpu.memory_space<vmem>>, vector<1x16xf32>,
        %get3A_253 = vector.shape_cast %get3A_252 : vector<1x16xf32> to vector<16xf32>
        %add3A_254 = arith.constant 0 : i32
        %add3A_255 = arith.addi %mul3A_206, %add3A_254 : i32
        %swap3A = arith.index_cast %add3A_255 : i32 to index
        %swap3A_256 = arith.constant 0 : index
        %swap3A_257 = tpu.vector_load %arg11[%swap3A, %swap3A_256] {strides = array<i32>} : memref<50x64xf32, #tpu.memory_space<vmem>>, vector<1x16xf32>,
        %swap3A_258 = vector.shape_cast %swap3A_257 : vector<1x16xf32> to vector<16xf32>
        %swap3A_259 = vector.shape_cast %get3A_211 : vector<16xf32> to vector<1x16xf32>
        tpu.vector_store %arg11[%swap3A, %swap3A_256], %swap3A_259 {strides = array<i32>} : memref<50x64xf32, #tpu.memory_space<vmem>>, vector<1x16xf32>,
        %add3A_260 = arith.constant 0 : i32
        %add3A_261 = arith.addi %mul3A_206, %add3A_260 : i32
        %swap3A_262 = arith.index_cast %add3A_261 : i32 to index
        %swap3A_263 = arith.constant 16 : index
        %swap3A_264 = tpu.vector_load %arg11[%swap3A_262, %swap3A_263] {strides = array<i32>} : memref<50x64xf32, #tpu.memory_space<vmem>>, vector<1x16xf32>,
        %swap3A_265 = vector.shape_cast %swap3A_264 : vector<1x16xf32> to vector<16xf32>
        %swap3A_266 = vector.shape_cast %get3A_217 : vector<16xf32> to vector<1x16xf32>
        tpu.vector_store %arg11[%swap3A_262, %swap3A_263], %swap3A_266 {strides = array<i32>} : memref<50x64xf32, #tpu.memory_space<vmem>>, vector<1x16xf32>,
        %add3A_267 = arith.constant 0 : i32
        %add3A_268 = arith.addi %mul3A_206, %add3A_267 : i32
        %swap3A_269 = arith.index_cast %add3A_268 : i32 to index
        %swap3A_270 = arith.constant 32 : index
        %swap3A_271 = tpu.vector_load %arg11[%swap3A_269, %swap3A_270] {strides = array<i32>} : memref<50x64xf32, #tpu.memory_space<vmem>>, vector<1x16xf32>,
        %swap3A_272 = vector.shape_cast %swap3A_271 : vector<1x16xf32> to vector<16xf32>
        %swap3A_273 = vector.shape_cast %get3A_223 : vector<16xf32> to vector<1x16xf32>
        tpu.vector_store %arg11[%swap3A_269, %swap3A_270], %swap3A_273 {strides = array<i32>} : memref<50x64xf32, #tpu.memory_space<vmem>>, vector<1x16xf32>,
        %add3A_274 = arith.constant 0 : i32
        %add3A_275 = arith.addi %mul3A_206, %add3A_274 : i32
        %swap3A_276 = arith.index_cast %add3A_275 : i32 to index
        %swap3A_277 = arith.constant 48 : index
        %swap3A_278 = tpu.vector_load %arg11[%swap3A_276, %swap3A_277] {strides = array<i32>} : memref<50x64xf32, #tpu.memory_space<vmem>>, vector<1x16xf32>,
        %swap3A_279 = vector.shape_cast %swap3A_278 : vector<1x16xf32> to vector<16xf32>
        %swap3A_280 = vector.shape_cast %get3A_229 : vector<16xf32> to vector<1x16xf32>
        tpu.vector_store %arg11[%swap3A_276, %swap3A_277], %swap3A_280 {strides = array<i32>} : memref<50x64xf32, #tpu.memory_space<vmem>>, vector<1x16xf32>,
        %add3A_281 = arith.constant 1 : i32
        %add3A_282 = arith.addi %mul3A_206, %add3A_281 : i32
        %swap3A_283 = arith.index_cast %add3A_282 : i32 to index
        %swap3A_284 = arith.constant 0 : index
        %swap3A_285 = tpu.vector_load %arg11[%swap3A_283, %swap3A_284] {strides = array<i32>} : memref<50x64xf32, #tpu.memory_space<vmem>>, vector<1x16xf32>,
        %swap3A_286 = vector.shape_cast %swap3A_285 : vector<1x16xf32> to vector<16xf32>
        %swap3A_287 = vector.shape_cast %get3A_235 : vector<16xf32> to vector<1x16xf32>
        tpu.vector_store %arg11[%swap3A_283, %swap3A_284], %swap3A_287 {strides = array<i32>} : memref<50x64xf32, #tpu.memory_space<vmem>>, vector<1x16xf32>,
        %add3A_288 = arith.constant 1 : i32
        %add3A_289 = arith.addi %mul3A_206, %add3A_288 : i32
        %swap3A_290 = arith.index_cast %add3A_289 : i32 to index
        %swap3A_291 = arith.constant 16 : index
        %swap3A_292 = tpu.vector_load %arg11[%swap3A_290, %swap3A_291] {strides = array<i32>} : memref<50x64xf32, #tpu.memory_space<vmem>>, vector<1x16xf32>,
        %swap3A_293 = vector.shape_cast %swap3A_292 : vector<1x16xf32> to vector<16xf32>
        %swap3A_294 = vector.shape_cast %get3A_241 : vector<16xf32> to vector<1x16xf32>
        tpu.vector_store %arg11[%swap3A_290, %swap3A_291], %swap3A_294 {strides = array<i32>} : memref<50x64xf32, #tpu.memory_space<vmem>>, vector<1x16xf32>,
        %add3A_295 = arith.constant 1 : i32
        %add3A_296 = arith.addi %mul3A_206, %add3A_295 : i32
        %swap3A_297 = arith.index_cast %add3A_296 : i32 to index
        %swap3A_298 = arith.constant 32 : index
        %swap3A_299 = tpu.vector_load %arg11[%swap3A_297, %swap3A_298] {strides = array<i32>} : memref<50x64xf32, #tpu.memory_space<vmem>>, vector<1x16xf32>,
        %swap3A_300 = vector.shape_cast %swap3A_299 : vector<1x16xf32> to vector<16xf32>
        %swap3A_301 = vector.shape_cast %get3A_247 : vector<16xf32> to vector<1x16xf32>
        tpu.vector_store %arg11[%swap3A_297, %swap3A_298], %swap3A_301 {strides = array<i32>} : memref<50x64xf32, #tpu.memory_space<vmem>>, vector<1x16xf32>,
        %add3A_302 = arith.constant 1 : i32
        %add3A_303 = arith.addi %mul3A_206, %add3A_302 : i32
        %swap3A_304 = arith.index_cast %add3A_303 : i32 to index
        %swap3A_305 = arith.constant 48 : index
        %swap3A_306 = tpu.vector_load %arg11[%swap3A_304, %swap3A_305] {strides = array<i32>} : memref<50x64xf32, #tpu.memory_space<vmem>>, vector<1x16xf32>,
        %swap3A_307 = vector.shape_cast %swap3A_306 : vector<1x16xf32> to vector<16xf32>
        %swap3A_308 = vector.shape_cast %get3A_253 : vector<16xf32> to vector<1x16xf32>
        tpu.vector_store %arg11[%swap3A_304, %swap3A_305], %swap3A_308 {strides = array<i32>} : memref<50x64xf32, #tpu.memory_space<vmem>>, vector<1x16xf32>,
      }
      %scan3A_144 = arith.constant 25 : i32
      %add3A_145 = arith.addi %mul3A_2, %add3A_132 : i32
      %dma_start3A_146 = arith.constant 0 : i32
      %dma_start3A_147 = arith.constant 0 : i32
      %dma_start3A_148 = tpu.memref_slice %arg4[%add3A_145, %dma_start3A_146, %dma_start3A_147] : memref<4096x50x64xf32, #tpu.memory_space<hbm>> -> memref<1x50x64xf32, #tpu.memory_space<hbm>>
      %dma_start3A_149 = tpu.memref_squeeze %dma_start3A_148 : memref<1x50x64xf32, #tpu.memory_space<hbm>> -> memref<50x64xf32, #tpu.memory_space<hbm>>
      %dma_start3A_150 = arith.constant 0 : i32
      %dma_start3A_151 = arith.constant 0 : i32
      %dma_start3A_152 = tpu.memref_slice %arg4[%add3A_145, %dma_start3A_150, %dma_start3A_151] : memref<4096x50x64xf32, #tpu.memory_space<hbm>> -> memref<1x50x64xf32, #tpu.memory_space<hbm>>
      %dma_start3A_153 = tpu.memref_squeeze %dma_start3A_152 : memref<1x50x64xf32, #tpu.memory_space<hbm>> -> memref<50x64xf32, #tpu.memory_space<hbm>>
      tpu.enqueue_dma source(%arg11 : memref<50x64xf32, #tpu.memory_space<vmem>>) target(%dma_start3A_153 : memref<50x64xf32, #tpu.memory_space<hbm>>) target_semaphore(%arg19 : memref<!tpu.dma_semaphore, #tpu.memory_space<semaphore_mem>>)
      %mul3A_154 = arith.constant 4 : i32
      %mul3A_155 = arith.muli %scan3A_47, %mul3A_154 : i32
      %add3A_156 = arith.constant 2 : i32
      %add3A_157 = arith.addi %mul3A_155, %add3A_156 : i32
      %dma_wait3A_158 = arith.constant 0 : i32
      %dma_wait3A_159 = tpu.memref_slice %arg5[%add3A_157, %dma_wait3A_158] : memref<128x50xi32, #tpu.memory_space<vmem>> -> memref<1x50xi32, #tpu.memory_space<vmem>>
      %dma_wait3A_160 = tpu.memref_squeeze %dma_wait3A_159 : memref<1x50xi32, #tpu.memory_space<vmem>> -> memref<50xi32, #tpu.memory_space<vmem>>
      %dma_wait3A_161 = arith.constant 0 : i32
      %dma_wait3A_162 = arith.constant 0 : i32
      %dma_wait3A_163 = tpu.memref_slice %arg3[%dma_wait3A_161, %dma_wait3A_162] : memref<100000x128xf32, #tpu.memory_space<hbm>> -> memref<100000x128xf32, #tpu.memory_space<hbm>>
      tpu.wait_indirect_dma semaphore(%arg16 : memref<!tpu.dma_semaphore, #tpu.memory_space<semaphore_mem>>) src(%dma_wait3A_163 : memref<100000x128xf32, #tpu.memory_space<hbm>>) dst(%arg8 : memref<50x128xf32, #tpu.memory_space<vmem>>)
      %scan3A_164 = arith.constant 0 : i32
      %scan3A_165 = arith.constant 0 : i32
      %scan3A_166 = arith.constant 25 : i32
      %scan3A_167 = arith.addi %scan3A_165, %scan3A_166 : i32
      %scan3A_168 = arith.constant 1 : i32
      scf.for %scan3A_204 = %scan3A_165 to %scan3A_167 step %scan3A_168  : i32 {
        %mul3A_205 = arith.constant 2 : i32
        %mul3A_206 = arith.muli %scan3A_204, %mul3A_205 : i32
        %add3A_207 = arith.constant 0 : i32
        %add3A_208 = arith.addi %mul3A_206, %add3A_207 : i32
        %get3A = arith.index_cast %add3A_208 : i32 to index
        %get3A_209 = arith.constant 0 : index
        %get3A_210 = tpu.vector_load %arg8[%get3A, %get3A_209] {strides = array<i32>} : memref<50x128xf32, #tpu.memory_space<vmem>>, vector<1x16xf32>,
        %get3A_211 = vector.shape_cast %get3A_210 : vector<1x16xf32> to vector<16xf32>
        %add3A_212 = arith.constant 0 : i32
        %add3A_213 = arith.addi %mul3A_206, %add3A_212 : i32
        %get3A_214 = arith.index_cast %add3A_213 : i32 to index
        %get3A_215 = arith.constant 16 : index
        %get3A_216 = tpu.vector_load %arg8[%get3A_214, %get3A_215] {strides = array<i32>} : memref<50x128xf32, #tpu.memory_space<vmem>>, vector<1x16xf32>,
        %get3A_217 = vector.shape_cast %get3A_216 : vector<1x16xf32> to vector<16xf32>
        %add3A_218 = arith.constant 0 : i32
        %add3A_219 = arith.addi %mul3A_206, %add3A_218 : i32
        %get3A_220 = arith.index_cast %add3A_219 : i32 to index
        %get3A_221 = arith.constant 32 : index
        %get3A_222 = tpu.vector_load %arg8[%get3A_220, %get3A_221] {strides = array<i32>} : memref<50x128xf32, #tpu.memory_space<vmem>>, vector<1x16xf32>,
        %get3A_223 = vector.shape_cast %get3A_222 : vector<1x16xf32> to vector<16xf32>
        %add3A_224 = arith.constant 0 : i32
        %add3A_225 = arith.addi %mul3A_206, %add3A_224 : i32
        %get3A_226 = arith.index_cast %add3A_225 : i32 to index
        %get3A_227 = arith.constant 48 : index
        %get3A_228 = tpu.vector_load %arg8[%get3A_226, %get3A_227] {strides = array<i32>} : memref<50x128xf32, #tpu.memory_space<vmem>>, vector<1x16xf32>,
        %get3A_229 = vector.shape_cast %get3A_228 : vector<1x16xf32> to vector<16xf32>
        %add3A_230 = arith.constant 1 : i32
        %add3A_231 = arith.addi %mul3A_206, %add3A_230 : i32
        %get3A_232 = arith.index_cast %add3A_231 : i32 to index
        %get3A_233 = arith.constant 0 : index
        %get3A_234 = tpu.vector_load %arg8[%get3A_232, %get3A_233] {strides = array<i32>} : memref<50x128xf32, #tpu.memory_space<vmem>>, vector<1x16xf32>,
        %get3A_235 = vector.shape_cast %get3A_234 : vector<1x16xf32> to vector<16xf32>
        %add3A_236 = arith.constant 1 : i32
        %add3A_237 = arith.addi %mul3A_206, %add3A_236 : i32
        %get3A_238 = arith.index_cast %add3A_237 : i32 to index
        %get3A_239 = arith.constant 16 : index
        %get3A_240 = tpu.vector_load %arg8[%get3A_238, %get3A_239] {strides = array<i32>} : memref<50x128xf32, #tpu.memory_space<vmem>>, vector<1x16xf32>,
        %get3A_241 = vector.shape_cast %get3A_240 : vector<1x16xf32> to vector<16xf32>
        %add3A_242 = arith.constant 1 : i32
        %add3A_243 = arith.addi %mul3A_206, %add3A_242 : i32
        %get3A_244 = arith.index_cast %add3A_243 : i32 to index
        %get3A_245 = arith.constant 32 : index
        %get3A_246 = tpu.vector_load %arg8[%get3A_244, %get3A_245] {strides = array<i32>} : memref<50x128xf32, #tpu.memory_space<vmem>>, vector<1x16xf32>,
        %get3A_247 = vector.shape_cast %get3A_246 : vector<1x16xf32> to vector<16xf32>
        %add3A_248 = arith.constant 1 : i32
        %add3A_249 = arith.addi %mul3A_206, %add3A_248 : i32
        %get3A_250 = arith.index_cast %add3A_249 : i32 to index
        %get3A_251 = arith.constant 48 : index
        %get3A_252 = tpu.vector_load %arg8[%get3A_250, %get3A_251] {strides = array<i32>} : memref<50x128xf32, #tpu.memory_space<vmem>>, vector<1x16xf32>,
        %get3A_253 = vector.shape_cast %get3A_252 : vector<1x16xf32> to vector<16xf32>
        %add3A_254 = arith.constant 0 : i32
        %add3A_255 = arith.addi %mul3A_206, %add3A_254 : i32
        %swap3A = arith.index_cast %add3A_255 : i32 to index
        %swap3A_256 = arith.constant 0 : index
        %swap3A_257 = tpu.vector_load %arg12[%swap3A, %swap3A_256] {strides = array<i32>} : memref<50x64xf32, #tpu.memory_space<vmem>>, vector<1x16xf32>,
        %swap3A_258 = vector.shape_cast %swap3A_257 : vector<1x16xf32> to vector<16xf32>
        %swap3A_259 = vector.shape_cast %get3A_211 : vector<16xf32> to vector<1x16xf32>
        tpu.vector_store %arg12[%swap3A, %swap3A_256], %swap3A_259 {strides = array<i32>} : memref<50x64xf32, #tpu.memory_space<vmem>>, vector<1x16xf32>,
        %add3A_260 = arith.constant 0 : i32
        %add3A_261 = arith.addi %mul3A_206, %add3A_260 : i32
        %swap3A_262 = arith.index_cast %add3A_261 : i32 to index
        %swap3A_263 = arith.constant 16 : index
        %swap3A_264 = tpu.vector_load %arg12[%swap3A_262, %swap3A_263] {strides = array<i32>} : memref<50x64xf32, #tpu.memory_space<vmem>>, vector<1x16xf32>,
        %swap3A_265 = vector.shape_cast %swap3A_264 : vector<1x16xf32> to vector<16xf32>
        %swap3A_266 = vector.shape_cast %get3A_217 : vector<16xf32> to vector<1x16xf32>
        tpu.vector_store %arg12[%swap3A_262, %swap3A_263], %swap3A_266 {strides = array<i32>} : memref<50x64xf32, #tpu.memory_space<vmem>>, vector<1x16xf32>,
        %add3A_267 = arith.constant 0 : i32
        %add3A_268 = arith.addi %mul3A_206, %add3A_267 : i32
        %swap3A_269 = arith.index_cast %add3A_268 : i32 to index
        %swap3A_270 = arith.constant 32 : index
        %swap3A_271 = tpu.vector_load %arg12[%swap3A_269, %swap3A_270] {strides = array<i32>} : memref<50x64xf32, #tpu.memory_space<vmem>>, vector<1x16xf32>,
        %swap3A_272 = vector.shape_cast %swap3A_271 : vector<1x16xf32> to vector<16xf32>
        %swap3A_273 = vector.shape_cast %get3A_223 : vector<16xf32> to vector<1x16xf32>
        tpu.vector_store %arg12[%swap3A_269, %swap3A_270], %swap3A_273 {strides = array<i32>} : memref<50x64xf32, #tpu.memory_space<vmem>>, vector<1x16xf32>,
        %add3A_274 = arith.constant 0 : i32
        %add3A_275 = arith.addi %mul3A_206, %add3A_274 : i32
        %swap3A_276 = arith.index_cast %add3A_275 : i32 to index
        %swap3A_277 = arith.constant 48 : index
        %swap3A_278 = tpu.vector_load %arg12[%swap3A_276, %swap3A_277] {strides = array<i32>} : memref<50x64xf32, #tpu.memory_space<vmem>>, vector<1x16xf32>,
        %swap3A_279 = vector.shape_cast %swap3A_278 : vector<1x16xf32> to vector<16xf32>
        %swap3A_280 = vector.shape_cast %get3A_229 : vector<16xf32> to vector<1x16xf32>
        tpu.vector_store %arg12[%swap3A_276, %swap3A_277], %swap3A_280 {strides = array<i32>} : memref<50x64xf32, #tpu.memory_space<vmem>>, vector<1x16xf32>,
        %add3A_281 = arith.constant 1 : i32
        %add3A_282 = arith.addi %mul3A_206, %add3A_281 : i32
        %swap3A_283 = arith.index_cast %add3A_282 : i32 to index
        %swap3A_284 = arith.constant 0 : index
        %swap3A_285 = tpu.vector_load %arg12[%swap3A_283, %swap3A_284] {strides = array<i32>} : memref<50x64xf32, #tpu.memory_space<vmem>>, vector<1x16xf32>,
        %swap3A_286 = vector.shape_cast %swap3A_285 : vector<1x16xf32> to vector<16xf32>
        %swap3A_287 = vector.shape_cast %get3A_235 : vector<16xf32> to vector<1x16xf32>
        tpu.vector_store %arg12[%swap3A_283, %swap3A_284], %swap3A_287 {strides = array<i32>} : memref<50x64xf32, #tpu.memory_space<vmem>>, vector<1x16xf32>,
        %add3A_288 = arith.constant 1 : i32
        %add3A_289 = arith.addi %mul3A_206, %add3A_288 : i32
        %swap3A_290 = arith.index_cast %add3A_289 : i32 to index
        %swap3A_291 = arith.constant 16 : index
        %swap3A_292 = tpu.vector_load %arg12[%swap3A_290, %swap3A_291] {strides = array<i32>} : memref<50x64xf32, #tpu.memory_space<vmem>>, vector<1x16xf32>,
        %swap3A_293 = vector.shape_cast %swap3A_292 : vector<1x16xf32> to vector<16xf32>
        %swap3A_294 = vector.shape_cast %get3A_241 : vector<16xf32> to vector<1x16xf32>
        tpu.vector_store %arg12[%swap3A_290, %swap3A_291], %swap3A_294 {strides = array<i32>} : memref<50x64xf32, #tpu.memory_space<vmem>>, vector<1x16xf32>,
        %add3A_295 = arith.constant 1 : i32
        %add3A_296 = arith.addi %mul3A_206, %add3A_295 : i32
        %swap3A_297 = arith.index_cast %add3A_296 : i32 to index
        %swap3A_298 = arith.constant 32 : index
        %swap3A_299 = tpu.vector_load %arg12[%swap3A_297, %swap3A_298] {strides = array<i32>} : memref<50x64xf32, #tpu.memory_space<vmem>>, vector<1x16xf32>,
        %swap3A_300 = vector.shape_cast %swap3A_299 : vector<1x16xf32> to vector<16xf32>
        %swap3A_301 = vector.shape_cast %get3A_247 : vector<16xf32> to vector<1x16xf32>
        tpu.vector_store %arg12[%swap3A_297, %swap3A_298], %swap3A_301 {strides = array<i32>} : memref<50x64xf32, #tpu.memory_space<vmem>>, vector<1x16xf32>,
        %add3A_302 = arith.constant 1 : i32
        %add3A_303 = arith.addi %mul3A_206, %add3A_302 : i32
        %swap3A_304 = arith.index_cast %add3A_303 : i32 to index
        %swap3A_305 = arith.constant 48 : index
        %swap3A_306 = tpu.vector_load %arg12[%swap3A_304, %swap3A_305] {strides = array<i32>} : memref<50x64xf32, #tpu.memory_space<vmem>>, vector<1x16xf32>,
        %swap3A_307 = vector.shape_cast %swap3A_306 : vector<1x16xf32> to vector<16xf32>
        %swap3A_308 = vector.shape_cast %get3A_253 : vector<16xf32> to vector<1x16xf32>
        tpu.vector_store %arg12[%swap3A_304, %swap3A_305], %swap3A_308 {strides = array<i32>} : memref<50x64xf32, #tpu.memory_space<vmem>>, vector<1x16xf32>,
      }
      %scan3A_169 = arith.constant 25 : i32
      %add3A_170 = arith.addi %mul3A_2, %add3A_157 : i32
      %dma_start3A_171 = arith.constant 0 : i32
      %dma_start3A_172 = arith.constant 0 : i32
      %dma_start3A_173 = tpu.memref_slice %arg4[%add3A_170, %dma_start3A_171, %dma_start3A_172] : memref<4096x50x64xf32, #tpu.memory_space<hbm>> -> memref<1x50x64xf32, #tpu.memory_space<hbm>>
      %dma_start3A_174 = tpu.memref_squeeze %dma_start3A_173 : memref<1x50x64xf32, #tpu.memory_space<hbm>> -> memref<50x64xf32, #tpu.memory_space<hbm>>
      %dma_start3A_175 = arith.constant 0 : i32
      %dma_start3A_176 = arith.constant 0 : i32
      %dma_start3A_177 = tpu.memref_slice %arg4[%add3A_170, %dma_start3A_175, %dma_start3A_176] : memref<4096x50x64xf32, #tpu.memory_space<hbm>> -> memref<1x50x64xf32, #tpu.memory_space<hbm>>
      %dma_start3A_178 = tpu.memref_squeeze %dma_start3A_177 : memref<1x50x64xf32, #tpu.memory_space<hbm>> -> memref<50x64xf32, #tpu.memory_space<hbm>>
      tpu.enqueue_dma source(%arg12 : memref<50x64xf32, #tpu.memory_space<vmem>>) target(%dma_start3A_178 : memref<50x64xf32, #tpu.memory_space<hbm>>) target_semaphore(%arg20 : memref<!tpu.dma_semaphore, #tpu.memory_space<semaphore_mem>>)
      %mul3A_179 = arith.constant 4 : i32
      %mul3A_180 = arith.muli %scan3A_47, %mul3A_179 : i32
      %add3A_181 = arith.constant 3 : i32
      %add3A_182 = arith.addi %mul3A_180, %add3A_181 : i32
      %dma_wait3A_183 = arith.constant 0 : i32
      %dma_wait3A_184 = tpu.memref_slice %arg5[%add3A_182, %dma_wait3A_183] : memref<128x50xi32, #tpu.memory_space<vmem>> -> memref<1x50xi32, #tpu.memory_space<vmem>>
      %dma_wait3A_185 = tpu.memref_squeeze %dma_wait3A_184 : memref<1x50xi32, #tpu.memory_space<vmem>> -> memref<50xi32, #tpu.memory_space<vmem>>
      %dma_wait3A_186 = arith.constant 0 : i32
      %dma_wait3A_187 = arith.constant 0 : i32
      %dma_wait3A_188 = tpu.memref_slice %arg3[%dma_wait3A_186, %dma_wait3A_187] : memref<100000x128xf32, #tpu.memory_space<hbm>> -> memref<100000x128xf32, #tpu.memory_space<hbm>>
      tpu.wait_indirect_dma semaphore(%arg17 : memref<!tpu.dma_semaphore, #tpu.memory_space<semaphore_mem>>) src(%dma_wait3A_188 : memref<100000x128xf32, #tpu.memory_space<hbm>>) dst(%arg9 : memref<50x128xf32, #tpu.memory_space<vmem>>)
      %scan3A_189 = arith.constant 0 : i32
      %scan3A_190 = arith.constant 0 : i32
      %scan3A_191 = arith.constant 25 : i32
      %scan3A_192 = arith.addi %scan3A_190, %scan3A_191 : i32
      %scan3A_193 = arith.constant 1 : i32
      scf.for %scan3A_204 = %scan3A_190 to %scan3A_192 step %scan3A_193  : i32 {
        %mul3A_205 = arith.constant 2 : i32
        %mul3A_206 = arith.muli %scan3A_204, %mul3A_205 : i32
        %add3A_207 = arith.constant 0 : i32
        %add3A_208 = arith.addi %mul3A_206, %add3A_207 : i32
        %get3A = arith.index_cast %add3A_208 : i32 to index
        %get3A_209 = arith.constant 0 : index
        %get3A_210 = tpu.vector_load %arg9[%get3A, %get3A_209] {strides = array<i32>} : memref<50x128xf32, #tpu.memory_space<vmem>>, vector<1x16xf32>,
        %get3A_211 = vector.shape_cast %get3A_210 : vector<1x16xf32> to vector<16xf32>
        %add3A_212 = arith.constant 0 : i32
        %add3A_213 = arith.addi %mul3A_206, %add3A_212 : i32
        %get3A_214 = arith.index_cast %add3A_213 : i32 to index
        %get3A_215 = arith.constant 16 : index
        %get3A_216 = tpu.vector_load %arg9[%get3A_214, %get3A_215] {strides = array<i32>} : memref<50x128xf32, #tpu.memory_space<vmem>>, vector<1x16xf32>,
        %get3A_217 = vector.shape_cast %get3A_216 : vector<1x16xf32> to vector<16xf32>
        %add3A_218 = arith.constant 0 : i32
        %add3A_219 = arith.addi %mul3A_206, %add3A_218 : i32
        %get3A_220 = arith.index_cast %add3A_219 : i32 to index
        %get3A_221 = arith.constant 32 : index
        %get3A_222 = tpu.vector_load %arg9[%get3A_220, %get3A_221] {strides = array<i32>} : memref<50x128xf32, #tpu.memory_space<vmem>>, vector<1x16xf32>,
        %get3A_223 = vector.shape_cast %get3A_222 : vector<1x16xf32> to vector<16xf32>
        %add3A_224 = arith.constant 0 : i32
        %add3A_225 = arith.addi %mul3A_206, %add3A_224 : i32
        %get3A_226 = arith.index_cast %add3A_225 : i32 to index
        %get3A_227 = arith.constant 48 : index
        %get3A_228 = tpu.vector_load %arg9[%get3A_226, %get3A_227] {strides = array<i32>} : memref<50x128xf32, #tpu.memory_space<vmem>>, vector<1x16xf32>,
        %get3A_229 = vector.shape_cast %get3A_228 : vector<1x16xf32> to vector<16xf32>
        %add3A_230 = arith.constant 1 : i32
        %add3A_231 = arith.addi %mul3A_206, %add3A_230 : i32
        %get3A_232 = arith.index_cast %add3A_231 : i32 to index
        %get3A_233 = arith.constant 0 : index
        %get3A_234 = tpu.vector_load %arg9[%get3A_232, %get3A_233] {strides = array<i32>} : memref<50x128xf32, #tpu.memory_space<vmem>>, vector<1x16xf32>,
        %get3A_235 = vector.shape_cast %get3A_234 : vector<1x16xf32> to vector<16xf32>
        %add3A_236 = arith.constant 1 : i32
        %add3A_237 = arith.addi %mul3A_206, %add3A_236 : i32
        %get3A_238 = arith.index_cast %add3A_237 : i32 to index
        %get3A_239 = arith.constant 16 : index
        %get3A_240 = tpu.vector_load %arg9[%get3A_238, %get3A_239] {strides = array<i32>} : memref<50x128xf32, #tpu.memory_space<vmem>>, vector<1x16xf32>,
        %get3A_241 = vector.shape_cast %get3A_240 : vector<1x16xf32> to vector<16xf32>
        %add3A_242 = arith.constant 1 : i32
        %add3A_243 = arith.addi %mul3A_206, %add3A_242 : i32
        %get3A_244 = arith.index_cast %add3A_243 : i32 to index
        %get3A_245 = arith.constant 32 : index
        %get3A_246 = tpu.vector_load %arg9[%get3A_244, %get3A_245] {strides = array<i32>} : memref<50x128xf32, #tpu.memory_space<vmem>>, vector<1x16xf32>,
        %get3A_247 = vector.shape_cast %get3A_246 : vector<1x16xf32> to vector<16xf32>
        %add3A_248 = arith.constant 1 : i32
        %add3A_249 = arith.addi %mul3A_206, %add3A_248 : i32
        %get3A_250 = arith.index_cast %add3A_249 : i32 to index
        %get3A_251 = arith.constant 48 : index
        %get3A_252 = tpu.vector_load %arg9[%get3A_250, %get3A_251] {strides = array<i32>} : memref<50x128xf32, #tpu.memory_space<vmem>>, vector<1x16xf32>,
        %get3A_253 = vector.shape_cast %get3A_252 : vector<1x16xf32> to vector<16xf32>
        %add3A_254 = arith.constant 0 : i32
        %add3A_255 = arith.addi %mul3A_206, %add3A_254 : i32
        %swap3A = arith.index_cast %add3A_255 : i32 to index
        %swap3A_256 = arith.constant 0 : index
        %swap3A_257 = tpu.vector_load %arg13[%swap3A, %swap3A_256] {strides = array<i32>} : memref<50x64xf32, #tpu.memory_space<vmem>>, vector<1x16xf32>,
        %swap3A_258 = vector.shape_cast %swap3A_257 : vector<1x16xf32> to vector<16xf32>
        %swap3A_259 = vector.shape_cast %get3A_211 : vector<16xf32> to vector<1x16xf32>
        tpu.vector_store %arg13[%swap3A, %swap3A_256], %swap3A_259 {strides = array<i32>} : memref<50x64xf32, #tpu.memory_space<vmem>>, vector<1x16xf32>,
        %add3A_260 = arith.constant 0 : i32
        %add3A_261 = arith.addi %mul3A_206, %add3A_260 : i32
        %swap3A_262 = arith.index_cast %add3A_261 : i32 to index
        %swap3A_263 = arith.constant 16 : index
        %swap3A_264 = tpu.vector_load %arg13[%swap3A_262, %swap3A_263] {strides = array<i32>} : memref<50x64xf32, #tpu.memory_space<vmem>>, vector<1x16xf32>,
        %swap3A_265 = vector.shape_cast %swap3A_264 : vector<1x16xf32> to vector<16xf32>
        %swap3A_266 = vector.shape_cast %get3A_217 : vector<16xf32> to vector<1x16xf32>
        tpu.vector_store %arg13[%swap3A_262, %swap3A_263], %swap3A_266 {strides = array<i32>} : memref<50x64xf32, #tpu.memory_space<vmem>>, vector<1x16xf32>,
        %add3A_267 = arith.constant 0 : i32
        %add3A_268 = arith.addi %mul3A_206, %add3A_267 : i32
        %swap3A_269 = arith.index_cast %add3A_268 : i32 to index
        %swap3A_270 = arith.constant 32 : index
        %swap3A_271 = tpu.vector_load %arg13[%swap3A_269, %swap3A_270] {strides = array<i32>} : memref<50x64xf32, #tpu.memory_space<vmem>>, vector<1x16xf32>,
        %swap3A_272 = vector.shape_cast %swap3A_271 : vector<1x16xf32> to vector<16xf32>
        %swap3A_273 = vector.shape_cast %get3A_223 : vector<16xf32> to vector<1x16xf32>
        tpu.vector_store %arg13[%swap3A_269, %swap3A_270], %swap3A_273 {strides = array<i32>} : memref<50x64xf32, #tpu.memory_space<vmem>>, vector<1x16xf32>,
        %add3A_274 = arith.constant 0 : i32
        %add3A_275 = arith.addi %mul3A_206, %add3A_274 : i32
        %swap3A_276 = arith.index_cast %add3A_275 : i32 to index
        %swap3A_277 = arith.constant 48 : index
        %swap3A_278 = tpu.vector_load %arg13[%swap3A_276, %swap3A_277] {strides = array<i32>} : memref<50x64xf32, #tpu.memory_space<vmem>>, vector<1x16xf32>,
        %swap3A_279 = vector.shape_cast %swap3A_278 : vector<1x16xf32> to vector<16xf32>
        %swap3A_280 = vector.shape_cast %get3A_229 : vector<16xf32> to vector<1x16xf32>
        tpu.vector_store %arg13[%swap3A_276, %swap3A_277], %swap3A_280 {strides = array<i32>} : memref<50x64xf32, #tpu.memory_space<vmem>>, vector<1x16xf32>,
        %add3A_281 = arith.constant 1 : i32
        %add3A_282 = arith.addi %mul3A_206, %add3A_281 : i32
        %swap3A_283 = arith.index_cast %add3A_282 : i32 to index
        %swap3A_284 = arith.constant 0 : index
        %swap3A_285 = tpu.vector_load %arg13[%swap3A_283, %swap3A_284] {strides = array<i32>} : memref<50x64xf32, #tpu.memory_space<vmem>>, vector<1x16xf32>,
        %swap3A_286 = vector.shape_cast %swap3A_285 : vector<1x16xf32> to vector<16xf32>
        %swap3A_287 = vector.shape_cast %get3A_235 : vector<16xf32> to vector<1x16xf32>
        tpu.vector_store %arg13[%swap3A_283, %swap3A_284], %swap3A_287 {strides = array<i32>} : memref<50x64xf32, #tpu.memory_space<vmem>>, vector<1x16xf32>,
        %add3A_288 = arith.constant 1 : i32
        %add3A_289 = arith.addi %mul3A_206, %add3A_288 : i32
        %swap3A_290 = arith.index_cast %add3A_289 : i32 to index
        %swap3A_291 = arith.constant 16 : index
        %swap3A_292 = tpu.vector_load %arg13[%swap3A_290, %swap3A_291] {strides = array<i32>} : memref<50x64xf32, #tpu.memory_space<vmem>>, vector<1x16xf32>,
        %swap3A_293 = vector.shape_cast %swap3A_292 : vector<1x16xf32> to vector<16xf32>
        %swap3A_294 = vector.shape_cast %get3A_241 : vector<16xf32> to vector<1x16xf32>
        tpu.vector_store %arg13[%swap3A_290, %swap3A_291], %swap3A_294 {strides = array<i32>} : memref<50x64xf32, #tpu.memory_space<vmem>>, vector<1x16xf32>,
        %add3A_295 = arith.constant 1 : i32
        %add3A_296 = arith.addi %mul3A_206, %add3A_295 : i32
        %swap3A_297 = arith.index_cast %add3A_296 : i32 to index
        %swap3A_298 = arith.constant 32 : index
        %swap3A_299 = tpu.vector_load %arg13[%swap3A_297, %swap3A_298] {strides = array<i32>} : memref<50x64xf32, #tpu.memory_space<vmem>>, vector<1x16xf32>,
        %swap3A_300 = vector.shape_cast %swap3A_299 : vector<1x16xf32> to vector<16xf32>
        %swap3A_301 = vector.shape_cast %get3A_247 : vector<16xf32> to vector<1x16xf32>
        tpu.vector_store %arg13[%swap3A_297, %swap3A_298], %swap3A_301 {strides = array<i32>} : memref<50x64xf32, #tpu.memory_space<vmem>>, vector<1x16xf32>,
        %add3A_302 = arith.constant 1 : i32
        %add3A_303 = arith.addi %mul3A_206, %add3A_302 : i32
        %swap3A_304 = arith.index_cast %add3A_303 : i32 to index
        %swap3A_305 = arith.constant 48 : index
        %swap3A_306 = tpu.vector_load %arg13[%swap3A_304, %swap3A_305] {strides = array<i32>} : memref<50x64xf32, #tpu.memory_space<vmem>>, vector<1x16xf32>,
        %swap3A_307 = vector.shape_cast %swap3A_306 : vector<1x16xf32> to vector<16xf32>
        %swap3A_308 = vector.shape_cast %get3A_253 : vector<16xf32> to vector<1x16xf32>
        tpu.vector_store %arg13[%swap3A_304, %swap3A_305], %swap3A_308 {strides = array<i32>} : memref<50x64xf32, #tpu.memory_space<vmem>>, vector<1x16xf32>,
      }
      %scan3A_194 = arith.constant 25 : i32
      %add3A_195 = arith.addi %mul3A_2, %add3A_182 : i32
      %dma_start3A_196 = arith.constant 0 : i32
      %dma_start3A_197 = arith.constant 0 : i32
      %dma_start3A_198 = tpu.memref_slice %arg4[%add3A_195, %dma_start3A_196, %dma_start3A_197] : memref<4096x50x64xf32, #tpu.memory_space<hbm>> -> memref<1x50x64xf32, #tpu.memory_space<hbm>>
      %dma_start3A_199 = tpu.memref_squeeze %dma_start3A_198 : memref<1x50x64xf32, #tpu.memory_space<hbm>> -> memref<50x64xf32, #tpu.memory_space<hbm>>
      %dma_start3A_200 = arith.constant 0 : i32
      %dma_start3A_201 = arith.constant 0 : i32
      %dma_start3A_202 = tpu.memref_slice %arg4[%add3A_195, %dma_start3A_200, %dma_start3A_201] : memref<4096x50x64xf32, #tpu.memory_space<hbm>> -> memref<1x50x64xf32, #tpu.memory_space<hbm>>
      %dma_start3A_203 = tpu.memref_squeeze %dma_start3A_202 : memref<1x50x64xf32, #tpu.memory_space<hbm>> -> memref<50x64xf32, #tpu.memory_space<hbm>>
      tpu.enqueue_dma source(%arg13 : memref<50x64xf32, #tpu.memory_space<vmem>>) target(%dma_start3A_203 : memref<50x64xf32, #tpu.memory_space<hbm>>) target_semaphore(%arg21 : memref<!tpu.dma_semaphore, #tpu.memory_space<semaphore_mem>>)
    }
    %scan3A_7 = arith.constant 32 : i32
    %add3A_8 = arith.constant 124 : i32
    %add3A_9 = arith.addi %mul3A_2, %add3A_8 : i32
    %dma_wait3A = arith.constant 0 : i32
    %dma_wait3A_10 = arith.constant 0 : i32
    %dma_wait3A_11 = tpu.memref_slice %arg4[%add3A_9, %dma_wait3A, %dma_wait3A_10] : memref<4096x50x64xf32, #tpu.memory_space<hbm>> -> memref<1x50x64xf32, #tpu.memory_space<hbm>>
    %dma_wait3A_12 = tpu.memref_squeeze %dma_wait3A_11 : memref<1x50x64xf32, #tpu.memory_space<hbm>> -> memref<50x64xf32, #tpu.memory_space<hbm>>
    %dma_wait3A_13 = arith.constant 0 : i32
    %dma_wait3A_14 = arith.constant 0 : i32
    %dma_wait3A_15 = tpu.memref_slice %arg4[%add3A_9, %dma_wait3A_13, %dma_wait3A_14] : memref<4096x50x64xf32, #tpu.memory_space<hbm>> -> memref<1x50x64xf32, #tpu.memory_space<hbm>>
    %dma_wait3A_16 = tpu.memref_squeeze %dma_wait3A_15 : memref<1x50x64xf32, #tpu.memory_space<hbm>> -> memref<50x64xf32, #tpu.memory_space<hbm>>
    tpu.wait_dma2 semaphore(%arg18 : memref<!tpu.dma_semaphore, #tpu.memory_space<semaphore_mem>>) src(%arg10 : memref<50x64xf32, #tpu.memory_space<vmem>>) dst(%dma_wait3A_16 : memref<50x64xf32, #tpu.memory_space<hbm>>)
    %add3A_17 = arith.constant 125 : i32
    %add3A_18 = arith.addi %mul3A_2, %add3A_17 : i32
    %dma_wait3A_19 = arith.constant 0 : i32
    %dma_wait3A_20 = arith.constant 0 : i32
    %dma_wait3A_21 = tpu.memref_slice %arg4[%add3A_18, %dma_wait3A_19, %dma_wait3A_20] : memref<4096x50x64xf32, #tpu.memory_space<hbm>> -> memref<1x50x64xf32, #tpu.memory_space<hbm>>
    %dma_wait3A_22 = tpu.memref_squeeze %dma_wait3A_21 : memref<1x50x64xf32, #tpu.memory_space<hbm>> -> memref<50x64xf32, #tpu.memory_space<hbm>>
    %dma_wait3A_23 = arith.constant 0 : i32
    %dma_wait3A_24 = arith.constant 0 : i32
    %dma_wait3A_25 = tpu.memref_slice %arg4[%add3A_18, %dma_wait3A_23, %dma_wait3A_24] : memref<4096x50x64xf32, #tpu.memory_space<hbm>> -> memref<1x50x64xf32, #tpu.memory_space<hbm>>
    %dma_wait3A_26 = tpu.memref_squeeze %dma_wait3A_25 : memref<1x50x64xf32, #tpu.memory_space<hbm>> -> memref<50x64xf32, #tpu.memory_space<hbm>>
    tpu.wait_dma2 semaphore(%arg19 : memref<!tpu.dma_semaphore, #tpu.memory_space<semaphore_mem>>) src(%arg11 : memref<50x64xf32, #tpu.memory_space<vmem>>) dst(%dma_wait3A_26 : memref<50x64xf32, #tpu.memory_space<hbm>>)
    %add3A_27 = arith.constant 126 : i32
    %add3A_28 = arith.addi %mul3A_2, %add3A_27 : i32
    %dma_wait3A_29 = arith.constant 0 : i32
    %dma_wait3A_30 = arith.constant 0 : i32
    %dma_wait3A_31 = tpu.memref_slice %arg4[%add3A_28, %dma_wait3A_29, %dma_wait3A_30] : memref<4096x50x64xf32, #tpu.memory_space<hbm>> -> memref<1x50x64xf32, #tpu.memory_space<hbm>>
    %dma_wait3A_32 = tpu.memref_squeeze %dma_wait3A_31 : memref<1x50x64xf32, #tpu.memory_space<hbm>> -> memref<50x64xf32, #tpu.memory_space<hbm>>
    %dma_wait3A_33 = arith.constant 0 : i32
    %dma_wait3A_34 = arith.constant 0 : i32
    %dma_wait3A_35 = tpu.memref_slice %arg4[%add3A_28, %dma_wait3A_33, %dma_wait3A_34] : memref<4096x50x64xf32, #tpu.memory_space<hbm>> -> memref<1x50x64xf32, #tpu.memory_space<hbm>>
    %dma_wait3A_36 = tpu.memref_squeeze %dma_wait3A_35 : memref<1x50x64xf32, #tpu.memory_space<hbm>> -> memref<50x64xf32, #tpu.memory_space<hbm>>
    tpu.wait_dma2 semaphore(%arg20 : memref<!tpu.dma_semaphore, #tpu.memory_space<semaphore_mem>>) src(%arg12 : memref<50x64xf32, #tpu.memory_space<vmem>>) dst(%dma_wait3A_36 : memref<50x64xf32, #tpu.memory_space<hbm>>)
    %add3A_37 = arith.constant 127 : i32
    %add3A_38 = arith.addi %mul3A_2, %add3A_37 : i32
    %dma_wait3A_39 = arith.constant 0 : i32
    %dma_wait3A_40 = arith.constant 0 : i32
    %dma_wait3A_41 = tpu.memref_slice %arg4[%add3A_38, %dma_wait3A_39, %dma_wait3A_40] : memref<4096x50x64xf32, #tpu.memory_space<hbm>> -> memref<1x50x64xf32, #tpu.memory_space<hbm>>
    %dma_wait3A_42 = tpu.memref_squeeze %dma_wait3A_41 : memref<1x50x64xf32, #tpu.memory_space<hbm>> -> memref<50x64xf32, #tpu.memory_space<hbm>>
    %dma_wait3A_43 = arith.constant 0 : i32
    %dma_wait3A_44 = arith.constant 0 : i32
    %dma_wait3A_45 = tpu.memref_slice %arg4[%add3A_38, %dma_wait3A_43, %dma_wait3A_44] : memref<4096x50x64xf32, #tpu.memory_space<hbm>> -> memref<1x50x64xf32, #tpu.memory_space<hbm>>
    %dma_wait3A_46 = tpu.memref_squeeze %dma_wait3A_45 : memref<1x50x64xf32, #tpu.memory_space<hbm>> -> memref<50x64xf32, #tpu.memory_space<hbm>>
    tpu.wait_dma2 semaphore(%arg21 : memref<!tpu.dma_semaphore, #tpu.memory_space<semaphore_mem>>) src(%arg13 : memref<50x64xf32, #tpu.memory_space<vmem>>) dst(%dma_wait3A_46 : memref<50x64xf32, #tpu.memory_space<hbm>>)
    return
  }
}

</mosaic_0001>

<sc_bundles>
// kernel: kernel.3.cloned.1.call-start
scs
__scs_entry_jumppad:
0x0: {  	(pc) =	sbr.rel $0x88, $3  }
0x1: {  	(tag) =	ssettag $0x0;
	lr =	simm.s32 $0x1  }
0x2: {  	[smem:$0x3F9F] =	sst lr;
	_ =	strace $0xD0000000  }
0x3: {  	_ = 	snop  }
0x4: {  	_ = 	snop  }
0x5: {  	_ = 	snop  }
0x6: {  	_ = 	snop  }
0x7: {  	_ = 	snop  }
__scs_overlays_trampoline_lowered:
0x8: {  	[smem:$0x3FAE] =	sst s0  }
0x9: {  	[smem:$0x3FAF] =	sst s1  }
0xa: {  	[smem:$0x3FB0] =	sst s2  }
0xb: {  	[smem:$0x3FB1] =	sst s3  }
0xc: {  	[smem:$0x3FB2] =	sst s4  }
0xd: {  	[smem:$0x3FB3] =	sst s5  }
0xe: {  	[smem:$0x3FB4] =	sst s6  }
0xf: {  	[smem:$0x3FB5] =	sst s7  }
0x10: {  	[smem:$0x3FB6] =	sst s8  }
0x11: {  	[smem:$0x3FB7] =	sst s9;
	s0 =	simm.s32 @!p0 $0x0  }
0x12: {  	s1 =	sld [smem:$0x3F9D];
	s0 =	simm.s32 @p0 $0x1  }
0x13: {  	[smem:$0x3FB8] =	sst s0;
	s0 =	simm.s32 @!p1 $0x0  }
0x14: {  	s2 =	sld [smem:$0x3F9C];
	s0 =	simm.s32 @p1 $0x1  }
0x15: {  	[smem:$0x3FB9] =	sst s0;
	s0 =	simm.s32 @!p2 $0x0  }
0x16: {  	s3 =	sld [smem:$0x3FDB];
	s0 =	simm.s32 @p2 $0x1  }
0x17: {  	s4 =	simm.s32 $0x1BF5;
	[smem:$0x3FBB] =	sst s0  }
0x18: {  	s0 =	sld [smem:$0x3F9E];
	_ =	swait.ge [sflag:s4], $0x0  }
0x19: {  	s7 =	sld [smem:$0x3F9F]  }
0x1a: {  	s8 =	sadd.s32 $0xFFFFE003, lr  }
0x1b: {  	s9 =	sadd.s32 $0xFFFFFEF7, lr;
	s5 =	simm.s32 $0xFFFFFFFF;
	p2 =	slt.u32 s8, $0xFFFFF086  }
0x1c: {  	p1 =	slt.u32 s9, $0xF7A;
	s5 =	simm.s32 @!p2 $0x0  }
0x1d: {  	s5 =	simm.s32 @p1 $0x1;
	p0 =	seq.s32 s7, s2  }
0x1e: {  	s7 =	smul.u32 @!p0 $0xF7A, s2;
	p2 =	seq.s32 @!p0 s5, $0x0  }
0x1f: {  	s9 =	smul.u32 $0xF7A, s1;
	s8 =	simm.s32 @!p0 $0x1BF5;
	p2 =	por !p2, p0  }
0x20: {  	[sflag:s8] =	ssyncset.s32 @!p0 $0xFFFFF086;
	s6 =	sadd.s32 @!p0 s3, s7;
	s7 =	simm.s32 @!p0 $0x108  }
0x21: {  	s3 =	sadd.s32 s3, s9;
	s6 =	sadd.s32 @!p0 $0x88, s6;
	s7 =	simm.s32 @p2 $0x1082  }
0x22: {  	[simem:s7], [sflag:s8] =	dma.local @!p0 [hbm:s6], $0xF7A  }
0x23: {  	s9 =	sor.u32 $0xD0000000, s2;
	s6 =	simm.s32 $0x108;
	_ =	swait.ge @!p0 [sflag:s8], $0x0  }
0x24: {  	s3 =	sadd.s32 $0x88, s3;
	s6 =	simm.s32 @!p1 $0x1082;
	[sflag:s4] =	ssyncset.s32 $0xFFFFF086  }
0x25: {  	[simem:s6], [sflag:s4] =	dma.local [hbm:s3], $0xF7A  }
0x26: {  	[smem:$0x3F9F] =	sst s1;
	(tag) =	ssettag s2;
	_ =	strace s9  }
0x27: {  	s1 =	sld [smem:$0x3FAF]  }
0x28: {  	s2 =	sld [smem:$0x3FB0]  }
0x29: {  	s4 =	sld [smem:$0x3FB2]  }
0x2a: {  	p0 =	seq.s32 s5, $0x0;
	s5 =	sld [smem:$0x3FB3]  }
0x2b: {  	s6 =	sld [smem:$0x3FB4]  }
0x2c: {  	s7 =	sld [smem:$0x3FB5]  }
0x2d: {  	s3 =	simm.s32 $0x108;
	s8 =	sld [smem:$0x3FB6]  }
0x2e: {  	s3 =	simm.s32 @!p0 $0x1082;
	s9 =	sld [smem:$0x3FB7]  }
0x2f: {  	lr =	sadd.s32 s0, s3;
	s0 =	sld [smem:$0x3FAE]  }
0x30: {  	s3 =	sld [smem:$0x3FB1]  }
0x31: {  	[smem:$0x3FBA] =	sst s10  }
0x32: {  	s10 =	sld [smem:$0x3FB8];
	_ =	sdelay $0x3  }
0x33: {  	p0 =	seq.s32 s10, $0x1;
	s10 =	sld [smem:$0x3FBA];
	_ =	sdelay $0x3  }
0x34: {  	[smem:$0x3FBA] =	sst s10  }
0x35: {  	s10 =	sld [smem:$0x3FB9];
	_ =	sdelay $0x3  }
0x36: {  	p1 =	seq.s32 s10, $0x1;
	s10 =	sld [smem:$0x3FBA];
	_ =	sdelay $0x3  }
0x37: {  	[smem:$0x3FBA] =	sst s10  }
0x38: {  	s10 =	sld [smem:$0x3FBB]  }
0x39: {  	_ = 	snop;
	(pc) =	sbr.ind lr, $3  }
0x3a: {  	_ = 	snop  }
0x3b: {  	_ = 	snop  }
0x3c: {  	p2 =	seq.s32 s10, $0x1;
	s10 =	sld [smem:$0x3FBA]  }
0x3d: {  	_ =	shalt  }
0x3e: {  	_ =	shalt  }
0x3f: {  	_ =	shalt  }
0x40: {  	_ =	shalt  }
0x41: {  	_ =	shalt  }
0x42: {  	_ =	shalt  }
0x43: {  	_ =	shalt  }
0x44: {  	_ =	shalt  }
0x45: {  	_ =	shalt  }
0x46: {  	_ =	shalt  }
0x47: {  	_ =	shalt  }
0x48: {  	_ =	shalt  }
0x49: {  	_ =	shalt  }
0x4a: {  	_ =	shalt  }
0x4b: {  	_ =	shalt  }
0x4c: {  	_ =	shalt  }
0x4d: {  	_ =	shalt  }
0x4e: {  	_ =	shalt  }
0x4f: {  	_ =	shalt  }
0x50: {  	_ =	shalt  }
0x51: {  	_ =	shalt  }
0x52: {  	_ =	shalt  }
0x53: {  	_ =	shalt  }
0x54: {  	_ =	shalt  }
0x55: {  	_ =	shalt  }
0x56: {  	_ =	shalt  }
0x57: {  	_ =	shalt  }
0x58: {  	_ =	shalt  }
0x59: {  	_ =	shalt  }
0x5a: {  	_ =	shalt  }
0x5b: {  	_ =	shalt  }
0x5c: {  	_ =	shalt  }
0x5d: {  	_ =	shalt  }
0x5e: {  	_ =	shalt  }
0x5f: {  	_ =	shalt  }
0x60: {  	_ =	shalt  }
0x61: {  	_ =	shalt  }
0x62: {  	_ =	shalt  }
0x63: {  	_ =	shalt  }
0x64: {  	_ =	shalt  }
0x65: {  	_ =	shalt  }
0x66: {  	_ =	shalt  }
0x67: {  	_ =	shalt  }
0x68: {  	_ =	shalt  }
0x69: {  	_ =	shalt  }
0x6a: {  	_ =	shalt  }
0x6b: {  	_ =	shalt  }
0x6c: {  	_ =	shalt  }
0x6d: {  	_ =	shalt  }
0x6e: {  	_ =	shalt  }
0x6f: {  	_ =	shalt  }
0x70: {  	_ =	shalt  }
0x71: {  	_ =	shalt  }
0x72: {  	_ =	shalt  }
0x73: {  	_ =	shalt  }
0x74: {  	_ =	shalt  }
0x75: {  	_ =	shalt  }
0x76: {  	_ =	shalt  }
0x77: {  	_ =	shalt  }
0x78: {  	_ =	shalt  }
0x79: {  	_ =	shalt  }
0x7a: {  	_ =	shalt  }
0x7b: {  	_ =	shalt  }
0x7c: {  	_ =	shalt  }
0x7d: {  	_ =	shalt  }
0x7e: {  	_ =	shalt  }
0x7f: {  	_ =	shalt  }
0x80: {  	_ =	shalt  }
0x81: {  	_ =	shalt  }
0x82: {  	_ =	shalt  }
0x83: {  	_ =	shalt  }
0x84: {  	_ =	shalt  }
0x85: {  	_ =	shalt  }
0x86: {  	_ =	shalt  }
0x87: {  	_ =	shalt  }
.Lfunc_end0:
.L_simem_size_0:
called_computation_lowered:
.L_overlay_start_0:
0x88: {  	s2 =	sld [smem:$0x3FD9]  }
0x89: {  	s3 =	sld [smem:$0x3FFE];
	_ =	sdelay $0x1  }
0x8a: {  	s1 =	srdreg.scid  }
0x8b: {  	s0 =	sand.u32 $0x1, s1  }
0x8c: {  	s16 =	sshll.u32 s0, $0xA;
	s2 =	sadd.s32 s3, s2  }
0x8d: {  	s2 =	sadd.s32 s2, s16  }
0x8e: {  	[smem:$0x3FC6] =	sst s2  }
0x8f: {  	_ = 	snop  }
0x90: {  	(tm) =	ssettm $0x1  }
0x91: {  	s17 =	sld [smem:$0x3FFB];
	_ =	sdelay $0x3  }
0x92: {  	_ =	strace s17  }
0x93: {  	s2 =	sld [smem:$0x3FFC];
	_ =	sdelay $0x3  }
0x94: {  	_ =	strace s2  }
0x95: {  	s2 =	sld [smem:$0x3FFD];
	_ =	sdelay $0x3  }
0x96: {  	_ =	strace s2  }
0x97: {  	_ =	strace $0x8FFFFFFF  }
0x98: {  	s18 =	sld [smem:$0x3FDB];
	_ =	sdelay $0x1  }
0x99: {  	s19 =	simm.s32 $_scs_section_size  }
0x9a: {  	s4 =	simm.s32 $_size__tile_overlayer_lowered;
	s5 =	simm.s32 $_tile_overlayer_lowered  }
0x9b: {  	s22 =	simm.s32 $0x1BFF;
	s21 =	sshll.u32 s5, $0x1;
	s2 =	sadd.s32 s19, s18  }
0x9c: {  	s6 =	simm.s32 $0x0;
	s20 =	sshll.u32 s4, $0x1;
	s4 =	sadd.s32 s21, s2  }
0x9d: {  	[timem:s6], [sflag:s22] =	dma.local [hbm:s4], s20  }
0x9e: {  	_ =	swait.ge [sflag:s22], s20  }
0x9f: {  	s3 =	ssub.s32 $0x0, s20;
	[sflag:s22] =	ssyncset.done $0x0  }
0xa0: {  	[sflag:s22] =	ssyncadd.s32 s3;
	_ =	sdelay $0x1  }
0xa1: {  	s23 =	simm.s32 $0x1B8B  }
0xa2: {  	_ =	swait.ge [sflag:s23], $0x1  }
0xa3: {  	[sflag:s23] =	ssyncset.done $0x0  }
0xa4: {  	s25 =	simm.s32 $0x1B8E;
	s24 =	sld [smem:$0x3FFE];
	[sflag:s23] =	ssyncadd.s32 $0xFFFFFFFF  }
0xa5: {  	s26 =	simm.s32 $execute0_lowered;
	[smem:$0x3FD2] =	sst s25  }
0xa6: {  	s4 =	sshll.u32 s26, $0x1;
	_ =	strace $0x80000046;
	[dreg:$0x1] =	wrdreg $0xFFFFFFFF  }
0xa7: {  	s28 =	simm.s32 $_size_execute0_lowered;
	s2 =	sadd.s32 s2, s4;
	[dreg:$0x0] =	wrdreg $0x0  }
0xa8: {  	s4 =	sshll.u32 s28, $0x1;
	[dreg:$0x2] =	wrdreg s2  }
0xa9: {  	[dreg:$0x3] =	wrdreg s4  }
0xaa: {  	[dreg:$0x4] =	wrdreg $0xC0  }
0xab: {  	_ =	task [dreg:s6], $0x5FFFF  }
0xac: {  	[dreg:$0x1] =	wrdreg $0xFFFFFFFF  }
0xad: {  	[dreg:$0x0] =	wrdreg $0x60  }
0xae: {  	[dreg:$0x2] =	wrdreg s24  }
0xaf: {  	[dreg:$0x3] =	wrdreg $0x9  }
0xb0: {  	_ =	task.clear_ibuf [dreg:s6], $0x4FFFF;
	_ =	strace $0x90000046  }
0xb1: {  	s29 =	simm.s32 $0x9;
	_ =	strace $0x80000048  }
0xb2: {  	_ =	swait.ge [sflag:s29], $0x1  }
0xb3: {  	[sflag:s29] =	ssyncadd.s32 $0xFFFFFFFF  }
0xb4: {  	_ =	strace $0x90000048  }
0xb5: {  	_ =	sfence  }
0xb6: {  	s30 =	sld [smem:$0x0];
	_ =	sdelay $0x2  }
0xb7: {  	s31 =	sshll.u32 s1, $0xD;
	s1 =	sshrl.u32 s1, $0x2  }
0xb8: {  	s3 =	sand.u32 $0x4000, s31;
	s1 =	sadd.s32 s1, s30  }
0xb9: {  	s0 =	sor.u32 s3, s0;
	s1 =	sshll.u32 s1, $0x11  }
0xba: {  	s0 =	sor.u32 s1, s0  }
0xbb: {  	s0 =	sadd.s32 $0x8F2B, s0  }
0xbc: {  	[sflag:s0] =	ssyncadd.remote.s32 $0x1  }
0xbd: {  	_ =	sfence.sel $0xFFFF  }
0xbe: {  	[dreg:$0x0] =	wrdreg $0xFFFFFFFF;
	(pc) =	sbr.abs _section_cstart, $3  }
0xbf: {  	[dreg:$0x1] =	wrdreg $0xFFFFFFFF  }
0xc0: {  	_ =	task.clear_ibuf [dreg:s6], $0x2FFFF;
	_ =	strace $0x9FFFFFFF  }
0xc1: {  	(tm) =	ssettm $0x7FFFFFFF  }
tec
execute0_lowered:
.L_overlay_start_1:
0x0: {  	(tag) =	ssettag $0x1  }
0x1: {  	s1 =	srdreg.scid;
	s0 =	stileid.u32  }
0x2: {  	s5 =	rddreg [dreg:$0x0];
	s2 =	simm.s32 $0x0;
	s8 =	simm.s32 $0x9  }
0x3: {  	s9 =	simm.s32 $0x32;
	s10 =	simm.s32 $0x9400;
	s11 =	simm.s32 $0x1  }
0x4: {  	s12 =	simm.s32 $0xB000;
	s13 =	simm.s32 $0x2;
	s14 =	simm.s32 $0xCC00  }
0x5: {  	s15 =	simm.s32 $0x3;
	s16 =	simm.s32 $0xE800;
	s17 =	simm.s32 $0x4  }
0x6: {  	s18 =	simm.s32 $0x10400;
	s19 =	simm.s32 $0x5;
	s20 =	simm.s32 $0x6  }
0x7: {  	s21 =	simm.s32 $0x7;
	s22 =	simm.s32 $0x8;
	s1 =	sand.u32 $0x1, s1  }
0x8: {  	s23 =	simm.s32 $0x0;
	s3 =	sshll.u32 s0, $0x8;
	s4 =	sshll.u32 s1, $0x7  }
0x9: {  	[smem:$0x7FF] =	sst s2;
	s1 =	ssub.s32 $0x2, s1;
	s3 =	sor.u32 s4, s3  }
0xa: {  	_ =	strace $0x80000047;
	s7 =	sshrl.u32 s1, $0x1;
	s4 =	sshll.u32 s3, $0x4  }
0xb: {  	s1 =	ssub.s32 s1, s7;
	s6 =	sadd.s32 s4, s5;
	s4 =	sadd.s32 $0x10400, s5  }
0xc: {  	s5 =	sadd.s32 $0x196E00, s5;
	s7 =	smax.u32 s1, $0x1;
	s6 =	sadd.s32 $0x400, s6  }
.LBB2_1:
0xd: {  	[tilespmem:s2], [sflag:$0x9] =	stream.linear.gather [hbm4b:s6+s2], $0x4000, $0x38;
	[tilespmem:$0x12000] =	vst v63  }
0xe: {  	_ =	swait.ge [sflag:s8], $0x4000  }
0xf: {  	[sflag:s8] =	ssyncset.done $0x0  }
0x10: {  	s24 =	simm.s32 $0x0;
	[sflag:s8] =	ssyncadd.s32 $0xFFFFC000  }
.LBB2_2:
0x11: {  	p0 =	sne.s32 s24, $0x0  }
0x12: {  	s1 =	simm.s32 @p0 $0x5  }
0x13: {  	_ =	swait.ge @p0 [sflag:s1], $0x1900  }
0x14: {  	[sflag:s1] =	ssyncset.done @p0 $0x0  }
0x15: {  	[sflag:s1] =	ssyncadd.s32 @p0 $0xFFFFE700;
	s1 =	sshll.u32 @p0 s24, $0x9  }
0x16: {  	s25 =	simm.s32 @p0 $0x32;
	s26 =	simm.s32 @p0 $0x4000;
	s1 =	sand.u32 @p0 $0x3FFFFE00, s1  }
0x17: {  	[tilespmem:s26], [sflag:$0x1] =	stream.indirect.gather @p0 [hbm4b:s4+s25], $0x80, s1, s25, $0xb8;
	[tilespmem:$0x12000] =	vst v63  }
0x18: {  	s29 =	sshll.u32 s24, $0x2;
	s1 =	simm.s32 @p0 $0x6  }
0x19: {  	s28 =	sor.u32 @p0 $0x1, s29;
	_ =	swait.ge @p0 [sflag:s1], $0x1900  }
0x1a: {  	s26 =	sshll.u32 @p0 s28, $0x7;
	[sflag:s1] =	ssyncset.done @p0 $0x0  }
0x1b: {  	[sflag:s1] =	ssyncadd.s32 @p0 $0xFFFFE700;
	s1 =	sand.u32 @p0 $0x3FFFFF80, s26;
	s26 =	simm.s32 @p0 $0x5C00  }
0x1c: {  	[tilespmem:s26], [sflag:$0x2] =	stream.indirect.gather @p0 [hbm4b:s4+s25], $0x80, s1, s25, $0xb8;
	[tilespmem:$0x12000] =	vst v63  }
0x1d: {  	s1 =	simm.s32 @p0 $0x7  }
0x1e: {  	s26 =	sor.u32 @p0 $0x2, s29;
	_ =	swait.ge @p0 [sflag:s1], $0x1900  }
0x1f: {  	s30 =	sshll.u32 @p0 s26, $0x7;
	[sflag:s1] =	ssyncset.done @p0 $0x0  }
0x20: {  	[sflag:s1] =	ssyncadd.s32 @p0 $0xFFFFE700;
	s1 =	sand.u32 @p0 $0x3FFFFF80, s30;
	s30 =	simm.s32 @p0 $0x7800  }
0x21: {  	[tilespmem:s30], [sflag:$0x3] =	stream.indirect.gather @p0 [hbm4b:s4+s25], $0x80, s1, s25, $0xb8;
	[tilespmem:$0x12000] =	vst v63  }
0x22: {  	s1 =	simm.s32 @p0 $0x8  }
0x23: {  	_ =	swait.ge @p0 [sflag:s1], $0x1900  }
0x24: {  	s25 =	simm.s32 @!p0 $0x0;
	[sflag:s1] =	ssyncset.done @p0 $0x0  }
0x25: {  	s30 =	simm.s32 @!p0 $0x4000;
	[sflag:s1] =	ssyncadd.s32 @p0 $0xFFFFE700;
	s1 =	simm.s32 @!p0 $0x32  }
0x26: {  	[tilespmem:s30], [sflag:$0x1] =	stream.indirect.gather @!p0 [hbm4b:s4+s1], $0x80, s25, s1, $0xb8;
	[tilespmem:$0x12000] =	vst v63  }
0x27: {  	s25 =	simm.s32 @!p0 $0x80;
	s30 =	simm.s32 @!p0 $0x5C00  }
0x28: {  	[tilespmem:s30], [sflag:$0x2] =	stream.indirect.gather @!p0 [hbm4b:s4+s1], $0x80, s25, s1, $0xb8;
	[tilespmem:$0x12000] =	vst v63  }
0x29: {  	s25 =	sor.u32 @p0 $0x3, s29  }
0x2a: {  	s31 =	simm.s32 @!p0 $0x7800;
	s30 =	simm.s32 @!p0 $0x100;
	s25 =	simm.s32 @!p0 $0x3  }
0x2b: {  	[tilespmem:s31], [sflag:$0x3] =	stream.indirect.gather @!p0 [hbm4b:s4+s1], $0x80, s30, s1, $0xb8;
	[tilespmem:$0x12000] =	vst v63  }
0x2c: {  	s1 =	sshll.u32 s25, $0x7  }
0x2d: {  	s1 =	sand.u32 $0x3FFFFF80, s1  }
0x2e: {  	[tilespmem:s10], [sflag:$0x4] =	stream.indirect.gather [hbm4b:s4+s9], $0x80, s1, s9, $0xb8;
	[tilespmem:$0x12000] =	vst v63  }
0x2f: {  	_ =	swait.ge [sflag:s11], $0x1900  }
0x30: {  	[sflag:s11] =	ssyncset.done $0x0  }
0x31: {  	s30 =	simm.s32 $0xB0;
	[sflag:s11] =	ssyncadd.s32 $0xFFFFE700  }
0x32: {  	v2 =	vld [tilespmem:s30+$0x4000]  }
0x33: {  	v4 =	vld [tilespmem:s30+$0x3F50]  }
0x34: {  	v5 =	vld [tilespmem:s30+$0x3F60]  }
0x35: {  	v3 =	vld [tilespmem:s30+$0x3F70]  }
0x36: {  	v0 =	vld [tilespmem:s30+$0x3F80]  }
0x37: {  	v1 =	vld [tilespmem:s30+$0x3FD0];
	[tilespmem:s30+$0xB000] =	vst v2  }
0x38: {  	s28 =	simm.s32 @!p0 $0x1;
	v2 =	vld [tilespmem:s30+$0x3FE0];
	[tilespmem:s30+$0xAF50] =	vst v4  }
0x39: {  	s26 =	simm.s32 @!p0 $0x2;
	s31 =	simm.s32 $0x1B0;
	s1 =	simm.s32 $0xAC0;
	v4 =	vld [tilespmem:s30+$0x3FF0];
	[tilespmem:s30+$0xAF60] =	vst v5  }
.LBB2_3:
0x3a: {  	p0 =	sne.s32 s1, $0x62C0;
	v5 =	vld [tilespmem:s31+$0x4000];
	[tilespmem:s30+$0xAF70] =	vst v3  }
0x3b: {  	v6 =	vld [tilespmem:s31+$0x3F50];
	[tilespmem:s30+$0xAF80] =	vst v0  }
0x3c: {  	v7 =	vld [tilespmem:s31+$0x3F60];
	[tilespmem:s30+$0xAFD0] =	vst v1  }
.Ltmp0:
0x3d: {  	v3 =	vld [tilespmem:s31+$0x3F70];
	[tilespmem:s30+$0xAFE0] =	vst v2;
	(pc) =	sbr.rel @p0 .LBB2_3-.Ltmp0, $4  }
0x3e: {  	v0 =	vld [tilespmem:s31+$0x3F80];
	[tilespmem:s30+$0xAFF0] =	vst v4;
	s30 =	smov.u32 s31  }
0x3f: {  	v1 =	vld [tilespmem:s30+$0x3FD0];
	[tilespmem:s30+$0xB000] =	vst v5  }
0x40: {  	v2 =	vld [tilespmem:s30+$0x3FE0];
	[tilespmem:s30+$0xAF50] =	vst v6  }
0x41: {  	s31 =	sshra.s32 s1, $0x2;
	s1 =	sadd.s32 $0x400, s1;
	v4 =	vld [tilespmem:s30+$0x3FF0];
	[tilespmem:s30+$0xAF60] =	vst v7  }
0x42: {  	v5 =	vld [tilespmem:s31+$0x4000];
	[tilespmem:s30+$0xAF70] =	vst v3  }
0x43: {  	v3 =	vld [tilespmem:s31+$0x3F50];
	[tilespmem:s30+$0xAF80] =	vst v0  }
0x44: {  	v0 =	vld [tilespmem:s31+$0x3F60];
	[tilespmem:s30+$0xAFD0] =	vst v1  }
0x45: {  	v1 =	vld [tilespmem:s31+$0x3F70];
	[tilespmem:s30+$0xAFE0] =	vst v2  }
0x46: {  	v2 =	vld [tilespmem:s31+$0x3F80];
	[tilespmem:s30+$0xAFF0] =	vst v4  }
0x47: {  	v4 =	vld [tilespmem:s31+$0x3FD0];
	[tilespmem:s31+$0xB000] =	vst v5  }
0x48: {  	v5 =	vld [tilespmem:s31+$0x3FE0];
	[tilespmem:s31+$0xAF50] =	vst v3  }
0x49: {  	v3 =	vld [tilespmem:s31+$0x3FF0];
	[tilespmem:s31+$0xAF60] =	vst v0  }
0x4a: {  	[tilespmem:s31+$0xAF70] =	vst v1  }
0x4b: {  	s1 =	sadd.s32 s3, s29;
	[tilespmem:s31+$0xAF80] =	vst v2  }
0x4c: {  	s1 =	smul.u32 $0x380, s1;
	[tilespmem:s31+$0xAFD0] =	vst v4  }
0x4d: {  	[tilespmem:s31+$0xAFE0] =	vst v5  }
0x4e: {  	s1 =	sadd.s32 s5, s1;
	[tilespmem:s31+$0xAFF0] =	vst v3  }
0x4f: {  	[hbm4b:s1+s2] =	stream.linear.scatter [tilespmem:s12], [sflag:$0x5], $0x1900, $0x38;
	[tilespmem:$0x12000] =	vst v63  }
0x50: {  	_ =	swait.ge [sflag:s13], $0x1900  }
0x51: {  	[sflag:s13] =	ssyncset.done $0x0  }
0x52: {  	s29 =	simm.s32 $0xB0;
	[sflag:s13] =	ssyncadd.s32 $0xFFFFE700  }
0x53: {  	v2 =	vld [tilespmem:s29+$0x5C00]  }
0x54: {  	v4 =	vld [tilespmem:s29+$0x5B50]  }
0x55: {  	v5 =	vld [tilespmem:s29+$0x5B60]  }
0x56: {  	v3 =	vld [tilespmem:s29+$0x5B70]  }
0x57: {  	v0 =	vld [tilespmem:s29+$0x5B80]  }
0x58: {  	v1 =	vld [tilespmem:s29+$0x5BD0];
	[tilespmem:s29+$0xCC00] =	vst v2  }
0x59: {  	v2 =	vld [tilespmem:s29+$0x5BE0];
	[tilespmem:s29+$0xCB50] =	vst v4  }
0x5a: {  	s30 =	simm.s32 $0x1B0;
	s1 =	simm.s32 $0xAC0;
	v4 =	vld [tilespmem:s29+$0x5BF0];
	[tilespmem:s29+$0xCB60] =	vst v5  }
.LBB2_5:
0x5b: {  	p0 =	sne.s32 s1, $0x62C0;
	v5 =	vld [tilespmem:s30+$0x5C00];
	[tilespmem:s29+$0xCB70] =	vst v3  }
0x5c: {  	v6 =	vld [tilespmem:s30+$0x5B50];
	[tilespmem:s29+$0xCB80] =	vst v0  }
0x5d: {  	v7 =	vld [tilespmem:s30+$0x5B60];
	[tilespmem:s29+$0xCBD0] =	vst v1  }
.Ltmp1:
0x5e: {  	v3 =	vld [tilespmem:s30+$0x5B70];
	[tilespmem:s29+$0xCBE0] =	vst v2;
	(pc) =	sbr.rel @p0 .LBB2_5-.Ltmp1, $4  }
0x5f: {  	v0 =	vld [tilespmem:s30+$0x5B80];
	[tilespmem:s29+$0xCBF0] =	vst v4;
	s29 =	smov.u32 s30  }
0x60: {  	v1 =	vld [tilespmem:s29+$0x5BD0];
	[tilespmem:s29+$0xCC00] =	vst v5  }
0x61: {  	v2 =	vld [tilespmem:s29+$0x5BE0];
	[tilespmem:s29+$0xCB50] =	vst v6  }
0x62: {  	s30 =	sshra.s32 s1, $0x2;
	s1 =	sadd.s32 $0x400, s1;
	v4 =	vld [tilespmem:s29+$0x5BF0];
	[tilespmem:s29+$0xCB60] =	vst v7  }
0x63: {  	v5 =	vld [tilespmem:s30+$0x5C00];
	[tilespmem:s29+$0xCB70] =	vst v3  }
0x64: {  	v3 =	vld [tilespmem:s30+$0x5B50];
	[tilespmem:s29+$0xCB80] =	vst v0  }
0x65: {  	v0 =	vld [tilespmem:s30+$0x5B60];
	[tilespmem:s29+$0xCBD0] =	vst v1  }
0x66: {  	v1 =	vld [tilespmem:s30+$0x5B70];
	[tilespmem:s29+$0xCBE0] =	vst v2  }
0x67: {  	v2 =	vld [tilespmem:s30+$0x5B80];
	[tilespmem:s29+$0xCBF0] =	vst v4  }
0x68: {  	v4 =	vld [tilespmem:s30+$0x5BD0];
	[tilespmem:s30+$0xCC00] =	vst v5  }
0x69: {  	v5 =	vld [tilespmem:s30+$0x5BE0];
	[tilespmem:s30+$0xCB50] =	vst v3  }
0x6a: {  	v3 =	vld [tilespmem:s30+$0x5BF0];
	[tilespmem:s30+$0xCB60] =	vst v0  }
0x6b: {  	[tilespmem:s30+$0xCB70] =	vst v1  }
0x6c: {  	s1 =	sadd.s32 s3, s28;
	[tilespmem:s30+$0xCB80] =	vst v2  }
0x6d: {  	s1 =	smul.u32 $0x380, s1;
	[tilespmem:s30+$0xCBD0] =	vst v4  }
0x6e: {  	[tilespmem:s30+$0xCBE0] =	vst v5  }
0x6f: {  	s1 =	sadd.s32 s5, s1;
	[tilespmem:s30+$0xCBF0] =	vst v3  }
0x70: {  	[hbm4b:s1+s2] =	stream.linear.scatter [tilespmem:s14], [sflag:$0x6], $0x1900, $0x38;
	[tilespmem:$0x12000] =	vst v63  }
0x71: {  	_ =	swait.ge [sflag:s15], $0x1900  }
0x72: {  	[sflag:s15] =	ssyncset.done $0x0  }
0x73: {  	s28 =	simm.s32 $0xB0;
	[sflag:s15] =	ssyncadd.s32 $0xFFFFE700  }
0x74: {  	v2 =	vld [tilespmem:s28+$0x7800]  }
0x75: {  	v4 =	vld [tilespmem:s28+$0x7750]  }
0x76: {  	v5 =	vld [tilespmem:s28+$0x7760]  }
0x77: {  	v3 =	vld [tilespmem:s28+$0x7770]  }
0x78: {  	v0 =	vld [tilespmem:s28+$0x7780]  }
0x79: {  	v1 =	vld [tilespmem:s28+$0x77D0];
	[tilespmem:s28+$0xE800] =	vst v2  }
0x7a: {  	v2 =	vld [tilespmem:s28+$0x77E0];
	[tilespmem:s28+$0xE750] =	vst v4  }
0x7b: {  	s29 =	simm.s32 $0x1B0;
	s1 =	simm.s32 $0xAC0;
	v4 =	vld [tilespmem:s28+$0x77F0];
	[tilespmem:s28+$0xE760] =	vst v5  }
.LBB2_7:
0x7c: {  	p0 =	sne.s32 s1, $0x62C0;
	v5 =	vld [tilespmem:s29+$0x7800];
	[tilespmem:s28+$0xE770] =	vst v3  }
0x7d: {  	v6 =	vld [tilespmem:s29+$0x7750];
	[tilespmem:s28+$0xE780] =	vst v0  }
0x7e: {  	v7 =	vld [tilespmem:s29+$0x7760];
	[tilespmem:s28+$0xE7D0] =	vst v1  }
.Ltmp2:
0x7f: {  	v3 =	vld [tilespmem:s29+$0x7770];
	[tilespmem:s28+$0xE7E0] =	vst v2;
	(pc) =	sbr.rel @p0 .LBB2_7-.Ltmp2, $4  }
0x80: {  	v0 =	vld [tilespmem:s29+$0x7780];
	[tilespmem:s28+$0xE7F0] =	vst v4;
	s28 =	smov.u32 s29  }
0x81: {  	v1 =	vld [tilespmem:s28+$0x77D0];
	[tilespmem:s28+$0xE800] =	vst v5  }
0x82: {  	v2 =	vld [tilespmem:s28+$0x77E0];
	[tilespmem:s28+$0xE750] =	vst v6  }
0x83: {  	s29 =	sshra.s32 s1, $0x2;
	s1 =	sadd.s32 $0x400, s1;
	v4 =	vld [tilespmem:s28+$0x77F0];
	[tilespmem:s28+$0xE760] =	vst v7  }
0x84: {  	v5 =	vld [tilespmem:s29+$0x7800];
	[tilespmem:s28+$0xE770] =	vst v3  }
0x85: {  	v3 =	vld [tilespmem:s29+$0x7750];
	[tilespmem:s28+$0xE780] =	vst v0  }
0x86: {  	v0 =	vld [tilespmem:s29+$0x7760];
	[tilespmem:s28+$0xE7D0] =	vst v1  }
0x87: {  	v1 =	vld [tilespmem:s29+$0x7770];
	[tilespmem:s28+$0xE7E0] =	vst v2  }
0x88: {  	v2 =	vld [tilespmem:s29+$0x7780];
	[tilespmem:s28+$0xE7F0] =	vst v4  }
0x89: {  	v4 =	vld [tilespmem:s29+$0x77D0];
	[tilespmem:s29+$0xE800] =	vst v5  }
0x8a: {  	v5 =	vld [tilespmem:s29+$0x77E0];
	[tilespmem:s29+$0xE750] =	vst v3  }
0x8b: {  	v3 =	vld [tilespmem:s29+$0x77F0];
	[tilespmem:s29+$0xE760] =	vst v0  }
0x8c: {  	[tilespmem:s29+$0xE770] =	vst v1  }
0x8d: {  	s1 =	sadd.s32 s3, s26;
	[tilespmem:s29+$0xE780] =	vst v2  }
0x8e: {  	s1 =	smul.u32 $0x380, s1;
	[tilespmem:s29+$0xE7D0] =	vst v4  }
0x8f: {  	[tilespmem:s29+$0xE7E0] =	vst v5  }
0x90: {  	s1 =	sadd.s32 s5, s1;
	[tilespmem:s29+$0xE7F0] =	vst v3  }
0x91: {  	[hbm4b:s1+s2] =	stream.linear.scatter [tilespmem:s16], [sflag:$0x7], $0x1900, $0x38;
	[tilespmem:$0x12000] =	vst v63  }
0x92: {  	_ =	swait.ge [sflag:s17], $0x1900  }
0x93: {  	[sflag:s17] =	ssyncset.done $0x0  }
0x94: {  	s26 =	simm.s32 $0xB0;
	[sflag:s17] =	ssyncadd.s32 $0xFFFFE700  }
0x95: {  	v2 =	vld [tilespmem:s26+$0x9400]  }
0x96: {  	v4 =	vld [tilespmem:s26+$0x9350]  }
0x97: {  	v5 =	vld [tilespmem:s26+$0x9360]  }
0x98: {  	v3 =	vld [tilespmem:s26+$0x9370]  }
0x99: {  	v0 =	vld [tilespmem:s26+$0x9380]  }
0x9a: {  	v1 =	vld [tilespmem:s26+$0x93D0];
	[tilespmem:s26+$0x10400] =	vst v2  }
0x9b: {  	v2 =	vld [tilespmem:s26+$0x93E0];
	[tilespmem:s26+$0x10350] =	vst v4  }
0x9c: {  	s28 =	simm.s32 $0x1B0;
	s1 =	simm.s32 $0xAC0;
	v4 =	vld [tilespmem:s26+$0x93F0];
	[tilespmem:s26+$0x10360] =	vst v5  }
.LBB2_9:
0x9d: {  	p0 =	sne.s32 s1, $0x62C0;
	v5 =	vld [tilespmem:s28+$0x9400];
	[tilespmem:s26+$0x10370] =	vst v3  }
0x9e: {  	v6 =	vld [tilespmem:s28+$0x9350];
	[tilespmem:s26+$0x10380] =	vst v0  }
0x9f: {  	v7 =	vld [tilespmem:s28+$0x9360];
	[tilespmem:s26+$0x103D0] =	vst v1  }
.Ltmp3:
0xa0: {  	v3 =	vld [tilespmem:s28+$0x9370];
	[tilespmem:s26+$0x103E0] =	vst v2;
	(pc) =	sbr.rel @p0 .LBB2_9-.Ltmp3, $4  }
0xa1: {  	v0 =	vld [tilespmem:s28+$0x9380];
	[tilespmem:s26+$0x103F0] =	vst v4;
	s26 =	smov.u32 s28  }
0xa2: {  	v1 =	vld [tilespmem:s26+$0x93D0];
	[tilespmem:s26+$0x10400] =	vst v5  }
0xa3: {  	v2 =	vld [tilespmem:s26+$0x93E0];
	[tilespmem:s26+$0x10350] =	vst v6  }
0xa4: {  	s28 =	sshra.s32 s1, $0x2;
	s1 =	sadd.s32 $0x400, s1;
	v4 =	vld [tilespmem:s26+$0x93F0];
	[tilespmem:s26+$0x10360] =	vst v7  }
0xa5: {  	v5 =	vld [tilespmem:s28+$0x9400];
	[tilespmem:s26+$0x10370] =	vst v3  }
0xa6: {  	v3 =	vld [tilespmem:s28+$0x9350];
	[tilespmem:s26+$0x10380] =	vst v0  }
0xa7: {  	v0 =	vld [tilespmem:s28+$0x9360];
	[tilespmem:s26+$0x103D0] =	vst v1  }
0xa8: {  	v1 =	vld [tilespmem:s28+$0x9370];
	[tilespmem:s26+$0x103E0] =	vst v2  }
0xa9: {  	v2 =	vld [tilespmem:s28+$0x9380];
	[tilespmem:s26+$0x103F0] =	vst v4  }
0xaa: {  	v4 =	vld [tilespmem:s28+$0x93D0];
	[tilespmem:s28+$0x10400] =	vst v5  }
0xab: {  	v62 =	vld [tilespmem:s28+$0x93E0];
	[tilespmem:s28+$0x10350] =	vst v3  }
0xac: {  	s24 =	sadd.s32 $0x1, s24;
	v63 =	vld [tilespmem:s28+$0x93F0];
	[tilespmem:s28+$0x10360] =	vst v0  }
0xad: {  	p0 =	sne.s32 s24, $0x20;
	[tilespmem:s28+$0x10370] =	vst v1  }
.Ltmp4:
0xae: {  	s1 =	sadd.s32 s3, s25;
	[tilespmem:s28+$0x10380] =	vst v2;
	(pc) =	sbr.rel @p0 .LBB2_2-.Ltmp4, $4  }
0xaf: {  	s1 =	smul.u32 $0x380, s1;
	[tilespmem:s28+$0x103D0] =	vst v4  }
0xb0: {  	[tilespmem:s28+$0x103E0] =	vst v62  }
0xb1: {  	s1 =	sadd.s32 s5, s1;
	[tilespmem:s28+$0x103F0] =	vst v63  }
0xb2: {  	[hbm4b:s1+s2] =	stream.linear.scatter [tilespmem:s18], [sflag:$0x8], $0x1900, $0x38;
	[tilespmem:$0x12000] =	vst v63  }
0xb3: {  	_ =	swait.ge [sflag:s19], $0x1900  }
0xb4: {  	[sflag:s19] =	ssyncset.done $0x0  }
0xb5: {  	[sflag:s19] =	ssyncadd.s32 $0xFFFFE700  }
0xb6: {  	_ =	swait.ge [sflag:s20], $0x1900  }
0xb7: {  	[sflag:s20] =	ssyncset.done $0x0  }
0xb8: {  	s23 =	sadd.s32 $0x1, s23;
	[sflag:s20] =	ssyncadd.s32 $0xFFFFE700  }
0xb9: {  	p0 =	sne.s32 s23, s7;
	_ =	swait.ge [sflag:s21], $0x1900  }
.Ltmp5:
0xba: {  	[sflag:s21] =	ssyncset.done $0x0;
	(pc) =	sbr.rel @p0 .LBB2_1-.Ltmp5, $4  }
0xbb: {  	[sflag:s21] =	ssyncadd.s32 $0xFFFFE700  }
0xbc: {  	_ =	swait.ge [sflag:s22], $0x1900  }
0xbd: {  	[sflag:s22] =	ssyncset.done $0x0  }
0xbe: {  	[sflag:s22] =	ssyncadd.s32 $0xFFFFE700  }
0xbf: {  	_ =	sfence.sel $0x180000  }
0xc0: {  	[bflag:$0x0] =	sbarrier.arrive $0xFFFF  }
0xc1: {  	_ =	strace $0x90000047  }
0xc2: {  	[bflag:$0x2] =	sbarrier.arrive $0xFFFF  }
0xc3: {  	p0 =	sne.s32 s0, $0x0;
	s0 =	rddreg [dreg:$0x1]  }
0xc4: {  	s0 =	sadd.s32 @!p0 $0x100000, s0  }
0xc5: {  	[sflag:s0] =	ssyncadd.tile.s32 @!p0 $0x1;
	_ =	shalt  }
.Lfunc_end2:
_tile_overlayer_lowered:
.L_overlay_start_2:
0xc6: {  	(tag) =	ssettag $0x2  }
0xc7: {  	s0 =	rddreg [dreg:$0x0];
	s2 =	stileid.u32  }
0xc8: {  	s1 =	rddreg [dreg:$0x1];
	p0 =	sne.s32 s2, $0x0  }
0xc9: {  	s3 =	rddreg [dreg:$0x2];
	[bflag:$0x3] =	sbarrier.arrive $0xFFFF;
	s2 =	simm.s32 @!p0 $0x1C09  }
0xca: {  	[timem:s3], [sflag:s2] =	dma.local @!p0 [hbm:s0], s1  }
0xcb: {  	s0 =	simm.s32 @!p0 $0x9  }
0xcc: {  	_ =	swait.ge @!p0 [sflag:s0], s1  }
0xcd: {  	s1 =	ssub.s32 @!p0 $0x0, s1;
	[sflag:s0] =	ssyncset.done @!p0 $0x0  }
0xce: {  	[sflag:s0] =	ssyncadd.s32 @!p0 s1  }
0xcf: {  	[bflag:$0x3] =	sbarrier.arrive $0xFFFF  }
0xd0: {  	_ =	shalt  }

</sc_bundles>
